<compile_context>
chip_gen: v7x
topology: tpu7x:2x2x1
jax: 0.10.2.dev20260603
libtpu: 0.0.44.dev20260713+nightly
codegen_flags: <defaults>
</compile_context>

<pallas_src>
import functools
import math

import jax
import jax.numpy as jnp
from jax import lax
from jax.experimental import pallas as pl
from jax.experimental.pallas import tpu as pltpu
from jax.experimental.pallas import tpu_sc as plsc

D_MODEL = 64
FEAT_DIM = 37
VOCAB = 100001
SPECIAL_TOKEN_IDS = (0, 99998, 99999, 100000)

_GELU_C = math.sqrt(2.0 / math.pi)
_SCALE = math.sqrt(D_MODEL)


_BLK = 2048
_GRID = (VOCAB + _BLK - 1) // _BLK


def _table_body(ft_ref, wt_ref, b_ref, se_ref, out_ref):
    i = pl.program_id(0)
    feats = ft_ref[...]
    pe = jnp.dot(feats, wt_ref[...], preferred_element_type=jnp.float32)
    pe = pe + b_ref[...]
    pe = 0.5 * pe * (1.0 + jnp.tanh(_GELU_C * (pe + 0.044715 * pe * pe * pe)))
    pe = pe * _SCALE
    rows = i * _BLK + lax.broadcasted_iota(jnp.int32, (_BLK, 1), 0)
    for slot, tok in enumerate(SPECIAL_TOKEN_IDS):
        pe = jnp.where(rows == tok, se_ref[slot:slot + 1, :], pe)
    out_ref[...] = pe


def _build_table(feature_table, special_embed, W, b):
    wt = W.T
    b2 = b.reshape(1, D_MODEL)
    return pl.pallas_call(
        _table_body,
        grid=(_GRID,),
        in_specs=[
            pl.BlockSpec((_BLK, FEAT_DIM), lambda i: (i, 0)),
            pl.BlockSpec((FEAT_DIM, D_MODEL), lambda i: (0, 0)),
            pl.BlockSpec((1, D_MODEL), lambda i: (0, 0)),
            pl.BlockSpec((len(SPECIAL_TOKEN_IDS), D_MODEL), lambda i: (0, 0)),
        ],
        out_specs=pl.BlockSpec((_BLK, D_MODEL), lambda i: (i, 0)),
        out_shape=jax.ShapeDtypeStruct((VOCAB, D_MODEL), jnp.float32),
    )(feature_table, wt, b2, special_embed)



_L = 512


def _make_gather(n_rows):
    info = plsc.get_sparse_core_info()
    nw = info.num_cores * info.num_subcores
    n_chunks = n_rows // nw
    mesh = plsc.VectorSubcoreMesh(core_axis_name="c", subcore_axis_name="s")

    @functools.partial(
        pl.kernel,
        mesh=mesh,
        out_type=jax.ShapeDtypeStruct((n_rows * _L, D_MODEL), jnp.float32),
        scratch_types=[
            pltpu.VMEM((2, _L), jnp.int32),
            pltpu.VMEM((2, _L, D_MODEL), jnp.float32),
            pltpu.SemaphoreType.DMA((2,)),
            pltpu.SemaphoreType.DMA((2,)),
        ],
        compiler_params=pltpu.CompilerParams(use_tc_tiling_on_sc=False),
    )
    def gather(tids_hbm, table_hbm, out_hbm, idx_v, rows_v, gsem, osem):
        wid = lax.axis_index("s") * info.num_cores + lax.axis_index("c")
        wbase = wid * n_chunks

        def wait_gather(b):
            pltpu.make_async_copy(table_hbm.at[idx_v.at[b]], rows_v.at[b],
                                  gsem.at[b]).wait()

        def fire_scatter(k, b):
            pltpu.make_async_copy(
                rows_v.at[b],
                out_hbm.at[pl.ds((wbase + k) * _L, _L)],
                osem.at[b]).start()

        def wait_scatter(k, b):
            pltpu.make_async_copy(
                rows_v.at[b],
                out_hbm.at[pl.ds((wbase + k) * _L, _L)],
                osem.at[b]).wait()

        pltpu.sync_copy(tids_hbm.at[pl.ds(wbase * _L, _L)], idx_v.at[0])
        pltpu.make_async_copy(table_hbm.at[idx_v.at[0]], rows_v.at[0],
                              gsem.at[0]).start()

        def pair_body(t, _):
            for p in range(2):
                k = 2 * t + p
                nb = 1 - p
                @pl.when(k + 1 < n_chunks)
                def _():
                    pltpu.sync_copy(
                        tids_hbm.at[pl.ds((wbase + k + 1) * _L, _L)],
                        idx_v.at[nb])
                    @pl.when(k >= 1)
                    def _():
                        wait_scatter(k - 1, nb)
                    pltpu.make_async_copy(table_hbm.at[idx_v.at[nb]],
                                          rows_v.at[nb], gsem.at[nb]).start()
                wait_gather(p)
                fire_scatter(k, p)
            return 0

        lax.fori_loop(0, n_chunks // 2, pair_body, 0)
        wait_scatter(n_chunks - 2, 0)
        wait_scatter(n_chunks - 1, 1)

    return gather



def kernel(token_ids, feature_table, special_embed, W, b):
    bsz, seq = token_ids.shape
    table = _build_table(feature_table, special_embed, W, b)
    n_rows = (bsz * seq) // _L
    tids2 = token_ids.reshape(n_rows * _L)
    flat = _make_gather(n_rows)(tids2, table)
    return flat.reshape(bsz, seq, D_MODEL)

# --- scband reference (transcript-rebuilt; emitter-appended) ---
"""Pipeline reference for scband-special-plus-feature-lookup-5918464934277 (READ-ONLY COPY).

The authoritative reference and input builder live on the scoring server;
editing this copy changes nothing except your own understanding.
"""

import jax, jax.numpy as jnp
import numpy as np
import math

D_MODEL = 64
FEAT_DIM = 37
VOCAB = 100001  # rows in feature table, token ids in [0, 100000]
SPECIAL_TOKEN_IDS = [0, 99998, 99999, 100000]


def gelu_approx(x):
    return 0.5 * x * (1.0 + jnp.tanh(math.sqrt(2.0 / math.pi) * (x + 0.044715 * jnp.power(x, 3))))


def setup_inputs(seed: int = 0) -> dict:
    key = jax.random.key(seed)
    k1, k2, k3, k4, k5 = jax.random.split(key, 5)
    token_ids = jax.random.randint(k1, (16384, 200), 0, VOCAB, dtype=jnp.int32)
    # buffer: precomputed product feature table
    feature_table = jax.random.normal(k2, (VOCAB, FEAT_DIM), dtype=jnp.float32)
    # learned params
    special_embed = jax.random.normal(k3, (len(SPECIAL_TOKEN_IDS), D_MODEL), dtype=jnp.float32)
    W = jax.random.normal(k4, (D_MODEL, FEAT_DIM), dtype=jnp.float32) * (1.0 / math.sqrt(FEAT_DIM))
    b = jax.random.normal(k5, (D_MODEL,), dtype=jnp.float32) * 0.01
    return {"token_ids": token_ids, "feature_table": feature_table, "special_embed": special_embed, "W": W, "b": b}


def reference(token_ids, feature_table, special_embed, W, b):
    # map token ids to special-embedding slots (-1 if not special)
    special_idx = jnp.full(token_ids.shape, -1, dtype=jnp.int32)
    for slot, tok in enumerate(SPECIAL_TOKEN_IDS):
        special_idx = jnp.where(token_ids == tok, slot, special_idx)
    is_special = special_idx >= 0
    # special path: small learned embedding lookup
    se = jnp.take(special_embed, jnp.clip(special_idx, 0, len(SPECIAL_TOKEN_IDS) - 1), axis=0)
    # product path: gather features, linear (hidden_dim=0 -> single Linear), gelu, scale
    feats = jnp.take(feature_table, token_ids, axis=0)  # [B, S, FEAT_DIM]
    pe = jnp.einsum('bsf,df->bsd', feats, W) + b
    pe = gelu_approx(pe) * math.sqrt(D_MODEL)
    out = jnp.where(is_special[..., None], se, pe)
    return out

if __name__ == "__main__":
    import jax
    _d = setup_inputs()
    print(jax.jit(kernel)(*tuple(_d.values())))

</pallas_src>

<mosaic_0001>
#map = affine_map<(d0, d1) -> (0)>
#map1 = affine_map<(d0, d1) -> (0, 0)>
module attributes {stable_mosaic.version = 14 : i64} {
  func.func @gather(%arg0: i32, %arg1: i32, %arg2: memref<3276800xi32, #tpu.memory_space<hbm>>, %arg3: memref<100001x64xf32, #tpu.memory_space<hbm>>, %arg4: memref<3276800x64xf32, #tpu.memory_space<hbm>>, %arg5: memref<2x512xi32, #tpu.memory_space<vmem>>, %arg6: memref<2x512x64xf32, #tpu.memory_space<vmem>>, %arg7: memref<2x!tpu.dma_semaphore, #tpu.memory_space<semaphore_mem>>, %arg8: memref<2x!tpu.dma_semaphore, #tpu.memory_space<semaphore_mem>>) attributes {dimension_semantics = [#tpu.dimension_semantics<core_parallel>, #tpu.dimension_semantics<subcore_parallel>], iteration_bounds = array<i64: 2, 16>, scalar_prefetch = 0 : i64, scratch_operands = 4 : i64, tpu.core_type = #tpu.core_type<sc_vector_subcore>, window_params = [{transform_indices = #map}, {transform_indices = #map1}, {transform_indices = #map1}]} {
    %mul3A = arith.constant 2 : i32
    %mul3A_0 = arith.muli %arg1, %mul3A : i32
    %add3A = arith.addi %mul3A_0, %arg0 : i32
    %mul3A_1 = arith.constant 200 : i32
    %mul3A_2 = arith.muli %add3A, %mul3A_1 : i32
    %mul3A_3 = arith.constant 512 : i32
    %mul3A_4 = arith.muli %mul3A_2, %mul3A_3 : i32
    %run_scoped3A = arith.constant 0 : i32
    "tpu.region"() ({
      %run_scoped3A_64 = tpu.sem_alloc : memref<!tpu.dma_semaphore, #tpu.memory_space<semaphore_mem>>
      %dma_start3A_65 = arith.constant 0 : i32
      %dma_start3A_66 = tpu.memref_slice %arg5[%run_scoped3A, %dma_start3A_65] : memref<2x512xi32, #tpu.memory_space<vmem>> -> memref<1x512xi32, #tpu.memory_space<vmem>>
      %dma_start3A_67 = tpu.memref_squeeze %dma_start3A_66 : memref<1x512xi32, #tpu.memory_space<vmem>> -> memref<512xi32, #tpu.memory_space<vmem>>
      %dma_start3A_68 = tpu.memref_slice %arg2[%mul3A_4] : memref<3276800xi32, #tpu.memory_space<hbm>> -> memref<512xi32, #tpu.memory_space<hbm>>
      %dma_start3A_69 = arith.constant 0 : i32
      %dma_start3A_70 = tpu.memref_slice %arg5[%run_scoped3A, %dma_start3A_69] : memref<2x512xi32, #tpu.memory_space<vmem>> -> memref<1x512xi32, #tpu.memory_space<vmem>>
      %dma_start3A_71 = tpu.memref_squeeze %dma_start3A_70 : memref<1x512xi32, #tpu.memory_space<vmem>> -> memref<512xi32, #tpu.memory_space<vmem>>
      %dma_start3A_72 = tpu.memref_slice %arg2[%mul3A_4] : memref<3276800xi32, #tpu.memory_space<hbm>> -> memref<512xi32, #tpu.memory_space<hbm>>
      tpu.enqueue_dma source(%dma_start3A_72 : memref<512xi32, #tpu.memory_space<hbm>>) target(%dma_start3A_71 : memref<512xi32, #tpu.memory_space<vmem>>) target_semaphore(%run_scoped3A_64 : memref<!tpu.dma_semaphore, #tpu.memory_space<semaphore_mem>>)
      %dma_wait3A_73 = arith.constant 0 : i32
      %dma_wait3A_74 = tpu.memref_slice %arg5[%run_scoped3A, %dma_wait3A_73] : memref<2x512xi32, #tpu.memory_space<vmem>> -> memref<1x512xi32, #tpu.memory_space<vmem>>
      %dma_wait3A_75 = tpu.memref_squeeze %dma_wait3A_74 : memref<1x512xi32, #tpu.memory_space<vmem>> -> memref<512xi32, #tpu.memory_space<vmem>>
      %dma_wait3A_76 = tpu.memref_slice %arg2[%mul3A_4] : memref<3276800xi32, #tpu.memory_space<hbm>> -> memref<512xi32, #tpu.memory_space<hbm>>
      %dma_wait3A_77 = arith.constant 0 : i32
      %dma_wait3A_78 = tpu.memref_slice %arg5[%run_scoped3A, %dma_wait3A_77] : memref<2x512xi32, #tpu.memory_space<vmem>> -> memref<1x512xi32, #tpu.memory_space<vmem>>
      %dma_wait3A_79 = tpu.memref_squeeze %dma_wait3A_78 : memref<1x512xi32, #tpu.memory_space<vmem>> -> memref<512xi32, #tpu.memory_space<vmem>>
      %dma_wait3A_80 = tpu.memref_slice %arg2[%mul3A_4] : memref<3276800xi32, #tpu.memory_space<hbm>> -> memref<512xi32, #tpu.memory_space<hbm>>
      tpu.wait_dma2 semaphore(%run_scoped3A_64 : memref<!tpu.dma_semaphore, #tpu.memory_space<semaphore_mem>>) src(%dma_wait3A_80 : memref<512xi32, #tpu.memory_space<hbm>>) dst(%dma_wait3A_79 : memref<512xi32, #tpu.memory_space<vmem>>)
      tpu.yield
    }) : () -> ()
    %dma_start3A = arith.constant 0 : i32
    %dma_start3A_5 = arith.constant 0 : i32
    %dma_start3A_6 = arith.constant 0 : i32
    %dma_start3A_7 = arith.constant 0 : i32
    %dma_start3A_8 = arith.constant 0 : i32
    %dma_start3A_9 = tpu.memref_slice %arg6[%dma_start3A_5, %dma_start3A_7, %dma_start3A_8] : memref<2x512x64xf32, #tpu.memory_space<vmem>> -> memref<1x512x64xf32, #tpu.memory_space<vmem>>
    %dma_start3A_10 = tpu.memref_squeeze %dma_start3A_9 : memref<1x512x64xf32, #tpu.memory_space<vmem>> -> memref<512x64xf32, #tpu.memory_space<vmem>>
    %dma_start3A_11 = arith.constant 0 : i32
    %dma_start3A_12 = tpu.memref_slice %arg5[%dma_start3A, %dma_start3A_11] : memref<2x512xi32, #tpu.memory_space<vmem>> -> memref<1x512xi32, #tpu.memory_space<vmem>>
    %dma_start3A_13 = tpu.memref_squeeze %dma_start3A_12 : memref<1x512xi32, #tpu.memory_space<vmem>> -> memref<512xi32, #tpu.memory_space<vmem>>
    %dma_start3A_14 = arith.constant 0 : i32
    %dma_start3A_15 = arith.constant 0 : i32
    %dma_start3A_16 = tpu.memref_slice %arg3[%dma_start3A_14, %dma_start3A_15] : memref<100001x64xf32, #tpu.memory_space<hbm>> -> memref<100001x64xf32, #tpu.memory_space<hbm>>
    %dma_start3A_17 = tpu.memref_slice %arg7[%dma_start3A_6] : memref<2x!tpu.dma_semaphore, #tpu.memory_space<semaphore_mem>> -> memref<1x!tpu.dma_semaphore, #tpu.memory_space<semaphore_mem>>
    %dma_start3A_18 = tpu.memref_squeeze %dma_start3A_17 : memref<1x!tpu.dma_semaphore, #tpu.memory_space<semaphore_mem>> -> memref<!tpu.dma_semaphore, #tpu.memory_space<semaphore_mem>>
    tpu.enqueue_indirect_dma source(%dma_start3A_16 : memref<100001x64xf32, #tpu.memory_space<hbm>>) target(%dma_start3A_10 : memref<512x64xf32, #tpu.memory_space<vmem>>) offsets(%dma_start3A_13 : memref<512xi32, #tpu.memory_space<vmem>>) semaphore(%dma_start3A_18 : memref<!tpu.dma_semaphore, #tpu.memory_space<semaphore_mem>>)
    %scan3A = arith.constant 0 : i32
    %scan3A_19 = arith.constant 0 : i32
    %scan3A_20 = arith.constant 100 : i32
    %scan3A_21 = arith.addi %scan3A_19, %scan3A_20 : i32
    %scan3A_22 = arith.constant 1 : i32
    %scan3A_23 = scf.for %scan3A_64 = %scan3A_19 to %scan3A_21 step %scan3A_22 iter_args(%scan3A_65 = %scan3A) -> (i32)  : i32 {
      %mul3A_66 = arith.constant 2 : i32
      %mul3A_67 = arith.muli %mul3A_66, %scan3A_64 : i32
      %add3A_68 = arith.constant 0 : i32
      %add3A_69 = arith.addi %mul3A_67, %add3A_68 : i32
      %add3A_70 = arith.constant 1 : i32
      %add3A_71 = arith.addi %add3A_69, %add3A_70 : i32
      %lt3A = arith.constant 200 : i32
      %lt3A_72 = arith.cmpi slt, %add3A_71, %lt3A : i32
      %convert_element_type3A = arith.extui %lt3A_72 : i1 to i32
      %cond3A = arith.constant 0 : i32
      %cond3A_73 = arith.cmpi ne, %convert_element_type3A, %cond3A : i32
      scf.if %cond3A_73 {
        %add3A_154 = arith.addi %mul3A_2, %add3A_69 : i32
        %add3A_155 = arith.constant 1 : i32
        %add3A_156 = arith.addi %add3A_154, %add3A_155 : i32
        %mul3A_157 = arith.constant 512 : i32
        %mul3A_158 = arith.muli %add3A_156, %mul3A_157 : i32
        %run_scoped3A_159 = arith.constant 1 : i32
        "tpu.region"() ({
          %run_scoped3A_179 = tpu.sem_alloc : memref<!tpu.dma_semaphore, #tpu.memory_space<semaphore_mem>>
          %dma_start3A_180 = arith.constant 0 : i32
          %dma_start3A_181 = tpu.memref_slice %arg5[%run_scoped3A_159, %dma_start3A_180] : memref<2x512xi32, #tpu.memory_space<vmem>> -> memref<1x512xi32, #tpu.memory_space<vmem>>
          %dma_start3A_182 = tpu.memref_squeeze %dma_start3A_181 : memref<1x512xi32, #tpu.memory_space<vmem>> -> memref<512xi32, #tpu.memory_space<vmem>>
          %dma_start3A_183 = tpu.memref_slice %arg2[%mul3A_158] : memref<3276800xi32, #tpu.memory_space<hbm>> -> memref<512xi32, #tpu.memory_space<hbm>>
          %dma_start3A_184 = arith.constant 0 : i32
          %dma_start3A_185 = tpu.memref_slice %arg5[%run_scoped3A_159, %dma_start3A_184] : memref<2x512xi32, #tpu.memory_space<vmem>> -> memref<1x512xi32, #tpu.memory_space<vmem>>
          %dma_start3A_186 = tpu.memref_squeeze %dma_start3A_185 : memref<1x512xi32, #tpu.memory_space<vmem>> -> memref<512xi32, #tpu.memory_space<vmem>>
          %dma_start3A_187 = tpu.memref_slice %arg2[%mul3A_158] : memref<3276800xi32, #tpu.memory_space<hbm>> -> memref<512xi32, #tpu.memory_space<hbm>>
          tpu.enqueue_dma source(%dma_start3A_187 : memref<512xi32, #tpu.memory_space<hbm>>) target(%dma_start3A_186 : memref<512xi32, #tpu.memory_space<vmem>>) target_semaphore(%run_scoped3A_179 : memref<!tpu.dma_semaphore, #tpu.memory_space<semaphore_mem>>)
          %dma_wait3A_188 = arith.constant 0 : i32
          %dma_wait3A_189 = tpu.memref_slice %arg5[%run_scoped3A_159, %dma_wait3A_188] : memref<2x512xi32, #tpu.memory_space<vmem>> -> memref<1x512xi32, #tpu.memory_space<vmem>>
          %dma_wait3A_190 = tpu.memref_squeeze %dma_wait3A_189 : memref<1x512xi32, #tpu.memory_space<vmem>> -> memref<512xi32, #tpu.memory_space<vmem>>
          %dma_wait3A_191 = tpu.memref_slice %arg2[%mul3A_158] : memref<3276800xi32, #tpu.memory_space<hbm>> -> memref<512xi32, #tpu.memory_space<hbm>>
          %dma_wait3A_192 = arith.constant 0 : i32
          %dma_wait3A_193 = tpu.memref_slice %arg5[%run_scoped3A_159, %dma_wait3A_192] : memref<2x512xi32, #tpu.memory_space<vmem>> -> memref<1x512xi32, #tpu.memory_space<vmem>>
          %dma_wait3A_194 = tpu.memref_squeeze %dma_wait3A_193 : memref<1x512xi32, #tpu.memory_space<vmem>> -> memref<512xi32, #tpu.memory_space<vmem>>
          %dma_wait3A_195 = tpu.memref_slice %arg2[%mul3A_158] : memref<3276800xi32, #tpu.memory_space<hbm>> -> memref<512xi32, #tpu.memory_space<hbm>>
          tpu.wait_dma2 semaphore(%run_scoped3A_179 : memref<!tpu.dma_semaphore, #tpu.memory_space<semaphore_mem>>) src(%dma_wait3A_195 : memref<512xi32, #tpu.memory_space<hbm>>) dst(%dma_wait3A_194 : memref<512xi32, #tpu.memory_space<vmem>>)
          tpu.yield
        }) : () -> ()
        %ge3A = arith.constant 1 : i32
        %ge3A_160 = arith.cmpi sge, %add3A_69, %ge3A : i32
        %convert_element_type3A_161 = arith.extui %ge3A_160 : i1 to i32
        %cond3A_162 = arith.constant 0 : i32
        %cond3A_163 = arith.cmpi ne, %convert_element_type3A_161, %cond3A_162 : i32
        scf.if %cond3A_163 {
          %sub3A = arith.constant 1 : i32
          %sub3A_179 = arith.subi %add3A_69, %sub3A : i32
          %add3A_180 = arith.addi %mul3A_2, %sub3A_179 : i32
          %mul3A_181 = arith.constant 512 : i32
          %mul3A_182 = arith.muli %add3A_180, %mul3A_181 : i32
          %dma_wait3A_183 = arith.constant 1 : i32
          %dma_wait3A_184 = arith.constant 1 : i32
          %dma_wait3A_185 = arith.constant 0 : i32
          %dma_wait3A_186 = arith.constant 0 : i32
          %dma_wait3A_187 = tpu.memref_slice %arg6[%dma_wait3A_183, %dma_wait3A_185, %dma_wait3A_186] : memref<2x512x64xf32, #tpu.memory_space<vmem>> -> memref<1x512x64xf32, #tpu.memory_space<vmem>>
          %dma_wait3A_188 = tpu.memref_squeeze %dma_wait3A_187 : memref<1x512x64xf32, #tpu.memory_space<vmem>> -> memref<512x64xf32, #tpu.memory_space<vmem>>
          %dma_wait3A_189 = arith.constant 0 : i32
          %dma_wait3A_190 = tpu.memref_slice %arg4[%mul3A_182, %dma_wait3A_189] : memref<3276800x64xf32, #tpu.memory_space<hbm>> -> memref<512x64xf32, #tpu.memory_space<hbm>>
          %dma_wait3A_191 = tpu.memref_slice %arg8[%dma_wait3A_184] : memref<2x!tpu.dma_semaphore, #tpu.memory_space<semaphore_mem>> -> memref<1x!tpu.dma_semaphore, #tpu.memory_space<semaphore_mem>>
          %dma_wait3A_192 = tpu.memref_squeeze %dma_wait3A_191 : memref<1x!tpu.dma_semaphore, #tpu.memory_space<semaphore_mem>> -> memref<!tpu.dma_semaphore, #tpu.memory_space<semaphore_mem>>
          %dma_wait3A_193 = arith.constant 0 : i32
          %dma_wait3A_194 = tpu.memref_slice %arg4[%mul3A_182, %dma_wait3A_193] : memref<3276800x64xf32, #tpu.memory_space<hbm>> -> memref<512x64xf32, #tpu.memory_space<hbm>>
          %dma_wait3A_195 = arith.constant 0 : i32
          %dma_wait3A_196 = arith.constant 0 : i32
          %dma_wait3A_197 = tpu.memref_slice %arg6[%dma_wait3A_183, %dma_wait3A_195, %dma_wait3A_196] : memref<2x512x64xf32, #tpu.memory_space<vmem>> -> memref<1x512x64xf32, #tpu.memory_space<vmem>>
          %dma_wait3A_198 = tpu.memref_squeeze %dma_wait3A_197 : memref<1x512x64xf32, #tpu.memory_space<vmem>> -> memref<512x64xf32, #tpu.memory_space<vmem>>
          tpu.wait_dma2 semaphore(%dma_wait3A_192 : memref<!tpu.dma_semaphore, #tpu.memory_space<semaphore_mem>>) src(%dma_wait3A_198 : memref<512x64xf32, #tpu.memory_space<vmem>>) dst(%dma_wait3A_194 : memref<512x64xf32, #tpu.memory_space<hbm>>)
        } else {
        }
        %dma_start3A_164 = arith.constant 1 : i32
        %dma_start3A_165 = arith.constant 1 : i32
        %dma_start3A_166 = arith.constant 1 : i32
        %dma_start3A_167 = arith.constant 0 : i32
        %dma_start3A_168 = arith.constant 0 : i32
        %dma_start3A_169 = tpu.memref_slice %arg6[%dma_start3A_165, %dma_start3A_167, %dma_start3A_168] : memref<2x512x64xf32, #tpu.memory_space<vmem>> -> memref<1x512x64xf32, #tpu.memory_space<vmem>>
        %dma_start3A_170 = tpu.memref_squeeze %dma_start3A_169 : memref<1x512x64xf32, #tpu.memory_space<vmem>> -> memref<512x64xf32, #tpu.memory_space<vmem>>
        %dma_start3A_171 = arith.constant 0 : i32
        %dma_start3A_172 = tpu.memref_slice %arg5[%dma_start3A_164, %dma_start3A_171] : memref<2x512xi32, #tpu.memory_space<vmem>> -> memref<1x512xi32, #tpu.memory_space<vmem>>
        %dma_start3A_173 = tpu.memref_squeeze %dma_start3A_172 : memref<1x512xi32, #tpu.memory_space<vmem>> -> memref<512xi32, #tpu.memory_space<vmem>>
        %dma_start3A_174 = arith.constant 0 : i32
        %dma_start3A_175 = arith.constant 0 : i32
        %dma_start3A_176 = tpu.memref_slice %arg3[%dma_start3A_174, %dma_start3A_175] : memref<100001x64xf32, #tpu.memory_space<hbm>> -> memref<100001x64xf32, #tpu.memory_space<hbm>>
        %dma_start3A_177 = tpu.memref_slice %arg7[%dma_start3A_166] : memref<2x!tpu.dma_semaphore, #tpu.memory_space<semaphore_mem>> -> memref<1x!tpu.dma_semaphore, #tpu.memory_space<semaphore_mem>>
        %dma_start3A_178 = tpu.memref_squeeze %dma_start3A_177 : memref<1x!tpu.dma_semaphore, #tpu.memory_space<semaphore_mem>> -> memref<!tpu.dma_semaphore, #tpu.memory_space<semaphore_mem>>
        tpu.enqueue_indirect_dma source(%dma_start3A_176 : memref<100001x64xf32, #tpu.memory_space<hbm>>) target(%dma_start3A_170 : memref<512x64xf32, #tpu.memory_space<vmem>>) offsets(%dma_start3A_173 : memref<512xi32, #tpu.memory_space<vmem>>) semaphore(%dma_start3A_178 : memref<!tpu.dma_semaphore, #tpu.memory_space<semaphore_mem>>)
      } else {
      }
      %dma_wait3A_74 = arith.constant 0 : i32
      %dma_wait3A_75 = arith.constant 0 : i32
      %dma_wait3A_76 = arith.constant 0 : i32
      %dma_wait3A_77 = arith.constant 0 : i32
      %dma_wait3A_78 = arith.constant 0 : i32
      %dma_wait3A_79 = tpu.memref_slice %arg6[%dma_wait3A_75, %dma_wait3A_77, %dma_wait3A_78] : memref<2x512x64xf32, #tpu.memory_space<vmem>> -> memref<1x512x64xf32, #tpu.memory_space<vmem>>
      %dma_wait3A_80 = tpu.memref_squeeze %dma_wait3A_79 : memref<1x512x64xf32, #tpu.memory_space<vmem>> -> memref<512x64xf32, #tpu.memory_space<vmem>>
      %dma_wait3A_81 = arith.constant 0 : i32
      %dma_wait3A_82 = tpu.memref_slice %arg5[%dma_wait3A_74, %dma_wait3A_81] : memref<2x512xi32, #tpu.memory_space<vmem>> -> memref<1x512xi32, #tpu.memory_space<vmem>>
      %dma_wait3A_83 = tpu.memref_squeeze %dma_wait3A_82 : memref<1x512xi32, #tpu.memory_space<vmem>> -> memref<512xi32, #tpu.memory_space<vmem>>
      %dma_wait3A_84 = arith.constant 0 : i32
      %dma_wait3A_85 = arith.constant 0 : i32
      %dma_wait3A_86 = tpu.memref_slice %arg3[%dma_wait3A_84, %dma_wait3A_85] : memref<100001x64xf32, #tpu.memory_space<hbm>> -> memref<100001x64xf32, #tpu.memory_space<hbm>>
      %dma_wait3A_87 = tpu.memref_slice %arg7[%dma_wait3A_76] : memref<2x!tpu.dma_semaphore, #tpu.memory_space<semaphore_mem>> -> memref<1x!tpu.dma_semaphore, #tpu.memory_space<semaphore_mem>>
      %dma_wait3A_88 = tpu.memref_squeeze %dma_wait3A_87 : memref<1x!tpu.dma_semaphore, #tpu.memory_space<semaphore_mem>> -> memref<!tpu.dma_semaphore, #tpu.memory_space<semaphore_mem>>
      tpu.wait_indirect_dma semaphore(%dma_wait3A_88 : memref<!tpu.dma_semaphore, #tpu.memory_space<semaphore_mem>>) src(%dma_wait3A_86 : memref<100001x64xf32, #tpu.memory_space<hbm>>) dst(%dma_wait3A_80 : memref<512x64xf32, #tpu.memory_space<vmem>>)
      %add3A_89 = arith.addi %mul3A_2, %add3A_69 : i32
      %mul3A_90 = arith.constant 512 : i32
      %mul3A_91 = arith.muli %add3A_89, %mul3A_90 : i32
      %dma_start3A_92 = arith.constant 0 : i32
      %dma_start3A_93 = arith.constant 0 : i32
      %dma_start3A_94 = arith.constant 0 : i32
      %dma_start3A_95 = arith.constant 0 : i32
      %dma_start3A_96 = tpu.memref_slice %arg6[%dma_start3A_92, %dma_start3A_94, %dma_start3A_95] : memref<2x512x64xf32, #tpu.memory_space<vmem>> -> memref<1x512x64xf32, #tpu.memory_space<vmem>>
      %dma_start3A_97 = tpu.memref_squeeze %dma_start3A_96 : memref<1x512x64xf32, #tpu.memory_space<vmem>> -> memref<512x64xf32, #tpu.memory_space<vmem>>
      %dma_start3A_98 = arith.constant 0 : i32
      %dma_start3A_99 = tpu.memref_slice %arg4[%mul3A_91, %dma_start3A_98] : memref<3276800x64xf32, #tpu.memory_space<hbm>> -> memref<512x64xf32, #tpu.memory_space<hbm>>
      %dma_start3A_100 = tpu.memref_slice %arg8[%dma_start3A_93] : memref<2x!tpu.dma_semaphore, #tpu.memory_space<semaphore_mem>> -> memref<1x!tpu.dma_semaphore, #tpu.memory_space<semaphore_mem>>
      %dma_start3A_101 = tpu.memref_squeeze %dma_start3A_100 : memref<1x!tpu.dma_semaphore, #tpu.memory_space<semaphore_mem>> -> memref<!tpu.dma_semaphore, #tpu.memory_space<semaphore_mem>>
      %dma_start3A_102 = arith.constant 0 : i32
      %dma_start3A_103 = tpu.memref_slice %arg4[%mul3A_91, %dma_start3A_102] : memref<3276800x64xf32, #tpu.memory_space<hbm>> -> memref<512x64xf32, #tpu.memory_space<hbm>>
      %dma_start3A_104 = arith.constant 0 : i32
      %dma_start3A_105 = arith.constant 0 : i32
      %dma_start3A_106 = tpu.memref_slice %arg6[%dma_start3A_92, %dma_start3A_104, %dma_start3A_105] : memref<2x512x64xf32, #tpu.memory_space<vmem>> -> memref<1x512x64xf32, #tpu.memory_space<vmem>>
      %dma_start3A_107 = tpu.memref_squeeze %dma_start3A_106 : memref<1x512x64xf32, #tpu.memory_space<vmem>> -> memref<512x64xf32, #tpu.memory_space<vmem>>
      tpu.enqueue_dma source(%dma_start3A_107 : memref<512x64xf32, #tpu.memory_space<vmem>>) target(%dma_start3A_103 : memref<512x64xf32, #tpu.memory_space<hbm>>) target_semaphore(%dma_start3A_101 : memref<!tpu.dma_semaphore, #tpu.memory_space<semaphore_mem>>)
      %mul3A_108 = arith.constant 2 : i32
      %mul3A_109 = arith.muli %mul3A_108, %scan3A_64 : i32
      %add3A_110 = arith.constant 1 : i32
      %add3A_111 = arith.addi %mul3A_109, %add3A_110 : i32
      %add3A_112 = arith.constant 1 : i32
      %add3A_113 = arith.addi %add3A_111, %add3A_112 : i32
      %lt3A_114 = arith.constant 200 : i32
      %lt3A_115 = arith.cmpi slt, %add3A_113, %lt3A_114 : i32
      %convert_element_type3A_116 = arith.extui %lt3A_115 : i1 to i32
      %cond3A_117 = arith.constant 0 : i32
      %cond3A_118 = arith.cmpi ne, %convert_element_type3A_116, %cond3A_117 : i32
      scf.if %cond3A_118 {
        %add3A_154 = arith.addi %mul3A_2, %add3A_111 : i32
        %add3A_155 = arith.constant 1 : i32
        %add3A_156 = arith.addi %add3A_154, %add3A_155 : i32
        %mul3A_157 = arith.constant 512 : i32
        %mul3A_158 = arith.muli %add3A_156, %mul3A_157 : i32
        %run_scoped3A_159 = arith.constant 0 : i32
        "tpu.region"() ({
          %run_scoped3A_179 = tpu.sem_alloc : memref<!tpu.dma_semaphore, #tpu.memory_space<semaphore_mem>>
          %dma_start3A_180 = arith.constant 0 : i32
          %dma_start3A_181 = tpu.memref_slice %arg5[%run_scoped3A_159, %dma_start3A_180] : memref<2x512xi32, #tpu.memory_space<vmem>> -> memref<1x512xi32, #tpu.memory_space<vmem>>
          %dma_start3A_182 = tpu.memref_squeeze %dma_start3A_181 : memref<1x512xi32, #tpu.memory_space<vmem>> -> memref<512xi32, #tpu.memory_space<vmem>>
          %dma_start3A_183 = tpu.memref_slice %arg2[%mul3A_158] : memref<3276800xi32, #tpu.memory_space<hbm>> -> memref<512xi32, #tpu.memory_space<hbm>>
          %dma_start3A_184 = arith.constant 0 : i32
          %dma_start3A_185 = tpu.memref_slice %arg5[%run_scoped3A_159, %dma_start3A_184] : memref<2x512xi32, #tpu.memory_space<vmem>> -> memref<1x512xi32, #tpu.memory_space<vmem>>
          %dma_start3A_186 = tpu.memref_squeeze %dma_start3A_185 : memref<1x512xi32, #tpu.memory_space<vmem>> -> memref<512xi32, #tpu.memory_space<vmem>>
          %dma_start3A_187 = tpu.memref_slice %arg2[%mul3A_158] : memref<3276800xi32, #tpu.memory_space<hbm>> -> memref<512xi32, #tpu.memory_space<hbm>>
          tpu.enqueue_dma source(%dma_start3A_187 : memref<512xi32, #tpu.memory_space<hbm>>) target(%dma_start3A_186 : memref<512xi32, #tpu.memory_space<vmem>>) target_semaphore(%run_scoped3A_179 : memref<!tpu.dma_semaphore, #tpu.memory_space<semaphore_mem>>)
          %dma_wait3A_188 = arith.constant 0 : i32
          %dma_wait3A_189 = tpu.memref_slice %arg5[%run_scoped3A_159, %dma_wait3A_188] : memref<2x512xi32, #tpu.memory_space<vmem>> -> memref<1x512xi32, #tpu.memory_space<vmem>>
          %dma_wait3A_190 = tpu.memref_squeeze %dma_wait3A_189 : memref<1x512xi32, #tpu.memory_space<vmem>> -> memref<512xi32, #tpu.memory_space<vmem>>
          %dma_wait3A_191 = tpu.memref_slice %arg2[%mul3A_158] : memref<3276800xi32, #tpu.memory_space<hbm>> -> memref<512xi32, #tpu.memory_space<hbm>>
          %dma_wait3A_192 = arith.constant 0 : i32
          %dma_wait3A_193 = tpu.memref_slice %arg5[%run_scoped3A_159, %dma_wait3A_192] : memref<2x512xi32, #tpu.memory_space<vmem>> -> memref<1x512xi32, #tpu.memory_space<vmem>>
          %dma_wait3A_194 = tpu.memref_squeeze %dma_wait3A_193 : memref<1x512xi32, #tpu.memory_space<vmem>> -> memref<512xi32, #tpu.memory_space<vmem>>
          %dma_wait3A_195 = tpu.memref_slice %arg2[%mul3A_158] : memref<3276800xi32, #tpu.memory_space<hbm>> -> memref<512xi32, #tpu.memory_space<hbm>>
          tpu.wait_dma2 semaphore(%run_scoped3A_179 : memref<!tpu.dma_semaphore, #tpu.memory_space<semaphore_mem>>) src(%dma_wait3A_195 : memref<512xi32, #tpu.memory_space<hbm>>) dst(%dma_wait3A_194 : memref<512xi32, #tpu.memory_space<vmem>>)
          tpu.yield
        }) : () -> ()
        %ge3A = arith.constant 1 : i32
        %ge3A_160 = arith.cmpi sge, %add3A_111, %ge3A : i32
        %convert_element_type3A_161 = arith.extui %ge3A_160 : i1 to i32
        %cond3A_162 = arith.constant 0 : i32
        %cond3A_163 = arith.cmpi ne, %convert_element_type3A_161, %cond3A_162 : i32
        scf.if %cond3A_163 {
          %sub3A = arith.constant 1 : i32
          %sub3A_179 = arith.subi %add3A_111, %sub3A : i32
          %add3A_180 = arith.addi %mul3A_2, %sub3A_179 : i32
          %mul3A_181 = arith.constant 512 : i32
          %mul3A_182 = arith.muli %add3A_180, %mul3A_181 : i32
          %dma_wait3A_183 = arith.constant 0 : i32
          %dma_wait3A_184 = arith.constant 0 : i32
          %dma_wait3A_185 = arith.constant 0 : i32
          %dma_wait3A_186 = arith.constant 0 : i32
          %dma_wait3A_187 = tpu.memref_slice %arg6[%dma_wait3A_183, %dma_wait3A_185, %dma_wait3A_186] : memref<2x512x64xf32, #tpu.memory_space<vmem>> -> memref<1x512x64xf32, #tpu.memory_space<vmem>>
          %dma_wait3A_188 = tpu.memref_squeeze %dma_wait3A_187 : memref<1x512x64xf32, #tpu.memory_space<vmem>> -> memref<512x64xf32, #tpu.memory_space<vmem>>
          %dma_wait3A_189 = arith.constant 0 : i32
          %dma_wait3A_190 = tpu.memref_slice %arg4[%mul3A_182, %dma_wait3A_189] : memref<3276800x64xf32, #tpu.memory_space<hbm>> -> memref<512x64xf32, #tpu.memory_space<hbm>>
          %dma_wait3A_191 = tpu.memref_slice %arg8[%dma_wait3A_184] : memref<2x!tpu.dma_semaphore, #tpu.memory_space<semaphore_mem>> -> memref<1x!tpu.dma_semaphore, #tpu.memory_space<semaphore_mem>>
          %dma_wait3A_192 = tpu.memref_squeeze %dma_wait3A_191 : memref<1x!tpu.dma_semaphore, #tpu.memory_space<semaphore_mem>> -> memref<!tpu.dma_semaphore, #tpu.memory_space<semaphore_mem>>
          %dma_wait3A_193 = arith.constant 0 : i32
          %dma_wait3A_194 = tpu.memref_slice %arg4[%mul3A_182, %dma_wait3A_193] : memref<3276800x64xf32, #tpu.memory_space<hbm>> -> memref<512x64xf32, #tpu.memory_space<hbm>>
          %dma_wait3A_195 = arith.constant 0 : i32
          %dma_wait3A_196 = arith.constant 0 : i32
          %dma_wait3A_197 = tpu.memref_slice %arg6[%dma_wait3A_183, %dma_wait3A_195, %dma_wait3A_196] : memref<2x512x64xf32, #tpu.memory_space<vmem>> -> memref<1x512x64xf32, #tpu.memory_space<vmem>>
          %dma_wait3A_198 = tpu.memref_squeeze %dma_wait3A_197 : memref<1x512x64xf32, #tpu.memory_space<vmem>> -> memref<512x64xf32, #tpu.memory_space<vmem>>
          tpu.wait_dma2 semaphore(%dma_wait3A_192 : memref<!tpu.dma_semaphore, #tpu.memory_space<semaphore_mem>>) src(%dma_wait3A_198 : memref<512x64xf32, #tpu.memory_space<vmem>>) dst(%dma_wait3A_194 : memref<512x64xf32, #tpu.memory_space<hbm>>)
        } else {
        }
        %dma_start3A_164 = arith.constant 0 : i32
        %dma_start3A_165 = arith.constant 0 : i32
        %dma_start3A_166 = arith.constant 0 : i32
        %dma_start3A_167 = arith.constant 0 : i32
        %dma_start3A_168 = arith.constant 0 : i32
        %dma_start3A_169 = tpu.memref_slice %arg6[%dma_start3A_165, %dma_start3A_167, %dma_start3A_168] : memref<2x512x64xf32, #tpu.memory_space<vmem>> -> memref<1x512x64xf32, #tpu.memory_space<vmem>>
        %dma_start3A_170 = tpu.memref_squeeze %dma_start3A_169 : memref<1x512x64xf32, #tpu.memory_space<vmem>> -> memref<512x64xf32, #tpu.memory_space<vmem>>
        %dma_start3A_171 = arith.constant 0 : i32
        %dma_start3A_172 = tpu.memref_slice %arg5[%dma_start3A_164, %dma_start3A_171] : memref<2x512xi32, #tpu.memory_space<vmem>> -> memref<1x512xi32, #tpu.memory_space<vmem>>
        %dma_start3A_173 = tpu.memref_squeeze %dma_start3A_172 : memref<1x512xi32, #tpu.memory_space<vmem>> -> memref<512xi32, #tpu.memory_space<vmem>>
        %dma_start3A_174 = arith.constant 0 : i32
        %dma_start3A_175 = arith.constant 0 : i32
        %dma_start3A_176 = tpu.memref_slice %arg3[%dma_start3A_174, %dma_start3A_175] : memref<100001x64xf32, #tpu.memory_space<hbm>> -> memref<100001x64xf32, #tpu.memory_space<hbm>>
        %dma_start3A_177 = tpu.memref_slice %arg7[%dma_start3A_166] : memref<2x!tpu.dma_semaphore, #tpu.memory_space<semaphore_mem>> -> memref<1x!tpu.dma_semaphore, #tpu.memory_space<semaphore_mem>>
        %dma_start3A_178 = tpu.memref_squeeze %dma_start3A_177 : memref<1x!tpu.dma_semaphore, #tpu.memory_space<semaphore_mem>> -> memref<!tpu.dma_semaphore, #tpu.memory_space<semaphore_mem>>
        tpu.enqueue_indirect_dma source(%dma_start3A_176 : memref<100001x64xf32, #tpu.memory_space<hbm>>) target(%dma_start3A_170 : memref<512x64xf32, #tpu.memory_space<vmem>>) offsets(%dma_start3A_173 : memref<512xi32, #tpu.memory_space<vmem>>) semaphore(%dma_start3A_178 : memref<!tpu.dma_semaphore, #tpu.memory_space<semaphore_mem>>)
      } else {
      }
      %dma_wait3A_119 = arith.constant 1 : i32
      %dma_wait3A_120 = arith.constant 1 : i32
      %dma_wait3A_121 = arith.constant 1 : i32
      %dma_wait3A_122 = arith.constant 0 : i32
      %dma_wait3A_123 = arith.constant 0 : i32
      %dma_wait3A_124 = tpu.memref_slice %arg6[%dma_wait3A_120, %dma_wait3A_122, %dma_wait3A_123] : memref<2x512x64xf32, #tpu.memory_space<vmem>> -> memref<1x512x64xf32, #tpu.memory_space<vmem>>
      %dma_wait3A_125 = tpu.memref_squeeze %dma_wait3A_124 : memref<1x512x64xf32, #tpu.memory_space<vmem>> -> memref<512x64xf32, #tpu.memory_space<vmem>>
      %dma_wait3A_126 = arith.constant 0 : i32
      %dma_wait3A_127 = tpu.memref_slice %arg5[%dma_wait3A_119, %dma_wait3A_126] : memref<2x512xi32, #tpu.memory_space<vmem>> -> memref<1x512xi32, #tpu.memory_space<vmem>>
      %dma_wait3A_128 = tpu.memref_squeeze %dma_wait3A_127 : memref<1x512xi32, #tpu.memory_space<vmem>> -> memref<512xi32, #tpu.memory_space<vmem>>
      %dma_wait3A_129 = arith.constant 0 : i32
      %dma_wait3A_130 = arith.constant 0 : i32
      %dma_wait3A_131 = tpu.memref_slice %arg3[%dma_wait3A_129, %dma_wait3A_130] : memref<100001x64xf32, #tpu.memory_space<hbm>> -> memref<100001x64xf32, #tpu.memory_space<hbm>>
      %dma_wait3A_132 = tpu.memref_slice %arg7[%dma_wait3A_121] : memref<2x!tpu.dma_semaphore, #tpu.memory_space<semaphore_mem>> -> memref<1x!tpu.dma_semaphore, #tpu.memory_space<semaphore_mem>>
      %dma_wait3A_133 = tpu.memref_squeeze %dma_wait3A_132 : memref<1x!tpu.dma_semaphore, #tpu.memory_space<semaphore_mem>> -> memref<!tpu.dma_semaphore, #tpu.memory_space<semaphore_mem>>
      tpu.wait_indirect_dma semaphore(%dma_wait3A_133 : memref<!tpu.dma_semaphore, #tpu.memory_space<semaphore_mem>>) src(%dma_wait3A_131 : memref<100001x64xf32, #tpu.memory_space<hbm>>) dst(%dma_wait3A_125 : memref<512x64xf32, #tpu.memory_space<vmem>>)
      %add3A_134 = arith.addi %mul3A_2, %add3A_111 : i32
      %mul3A_135 = arith.constant 512 : i32
      %mul3A_136 = arith.muli %add3A_134, %mul3A_135 : i32
      %dma_start3A_137 = arith.constant 1 : i32
      %dma_start3A_138 = arith.constant 1 : i32
      %dma_start3A_139 = arith.constant 0 : i32
      %dma_start3A_140 = arith.constant 0 : i32
      %dma_start3A_141 = tpu.memref_slice %arg6[%dma_start3A_137, %dma_start3A_139, %dma_start3A_140] : memref<2x512x64xf32, #tpu.memory_space<vmem>> -> memref<1x512x64xf32, #tpu.memory_space<vmem>>
      %dma_start3A_142 = tpu.memref_squeeze %dma_start3A_141 : memref<1x512x64xf32, #tpu.memory_space<vmem>> -> memref<512x64xf32, #tpu.memory_space<vmem>>
      %dma_start3A_143 = arith.constant 0 : i32
      %dma_start3A_144 = tpu.memref_slice %arg4[%mul3A_136, %dma_start3A_143] : memref<3276800x64xf32, #tpu.memory_space<hbm>> -> memref<512x64xf32, #tpu.memory_space<hbm>>
      %dma_start3A_145 = tpu.memref_slice %arg8[%dma_start3A_138] : memref<2x!tpu.dma_semaphore, #tpu.memory_space<semaphore_mem>> -> memref<1x!tpu.dma_semaphore, #tpu.memory_space<semaphore_mem>>
      %dma_start3A_146 = tpu.memref_squeeze %dma_start3A_145 : memref<1x!tpu.dma_semaphore, #tpu.memory_space<semaphore_mem>> -> memref<!tpu.dma_semaphore, #tpu.memory_space<semaphore_mem>>
      %dma_start3A_147 = arith.constant 0 : i32
      %dma_start3A_148 = tpu.memref_slice %arg4[%mul3A_136, %dma_start3A_147] : memref<3276800x64xf32, #tpu.memory_space<hbm>> -> memref<512x64xf32, #tpu.memory_space<hbm>>
      %dma_start3A_149 = arith.constant 0 : i32
      %dma_start3A_150 = arith.constant 0 : i32
      %dma_start3A_151 = tpu.memref_slice %arg6[%dma_start3A_137, %dma_start3A_149, %dma_start3A_150] : memref<2x512x64xf32, #tpu.memory_space<vmem>> -> memref<1x512x64xf32, #tpu.memory_space<vmem>>
      %dma_start3A_152 = tpu.memref_squeeze %dma_start3A_151 : memref<1x512x64xf32, #tpu.memory_space<vmem>> -> memref<512x64xf32, #tpu.memory_space<vmem>>
      tpu.enqueue_dma source(%dma_start3A_152 : memref<512x64xf32, #tpu.memory_space<vmem>>) target(%dma_start3A_148 : memref<512x64xf32, #tpu.memory_space<hbm>>) target_semaphore(%dma_start3A_146 : memref<!tpu.dma_semaphore, #tpu.memory_space<semaphore_mem>>)
      %scan3A_153 = arith.constant 0 : i32
      scf.yield %scan3A_153 : i32
    }
    %scan3A_24 = arith.constant 100 : i32
    %add3A_25 = arith.constant 198 : i32
    %add3A_26 = arith.addi %mul3A_2, %add3A_25 : i32
    %mul3A_27 = arith.constant 512 : i32
    %mul3A_28 = arith.muli %add3A_26, %mul3A_27 : i32
    %dma_wait3A = arith.constant 0 : i32
    %dma_wait3A_29 = arith.constant 0 : i32
    %dma_wait3A_30 = arith.constant 0 : i32
    %dma_wait3A_31 = arith.constant 0 : i32
    %dma_wait3A_32 = tpu.memref_slice %arg6[%dma_wait3A, %dma_wait3A_30, %dma_wait3A_31] : memref<2x512x64xf32, #tpu.memory_space<vmem>> -> memref<1x512x64xf32, #tpu.memory_space<vmem>>
    %dma_wait3A_33 = tpu.memref_squeeze %dma_wait3A_32 : memref<1x512x64xf32, #tpu.memory_space<vmem>> -> memref<512x64xf32, #tpu.memory_space<vmem>>
    %dma_wait3A_34 = arith.constant 0 : i32
    %dma_wait3A_35 = tpu.memref_slice %arg4[%mul3A_28, %dma_wait3A_34] : memref<3276800x64xf32, #tpu.memory_space<hbm>> -> memref<512x64xf32, #tpu.memory_space<hbm>>
    %dma_wait3A_36 = tpu.memref_slice %arg8[%dma_wait3A_29] : memref<2x!tpu.dma_semaphore, #tpu.memory_space<semaphore_mem>> -> memref<1x!tpu.dma_semaphore, #tpu.memory_space<semaphore_mem>>
    %dma_wait3A_37 = tpu.memref_squeeze %dma_wait3A_36 : memref<1x!tpu.dma_semaphore, #tpu.memory_space<semaphore_mem>> -> memref<!tpu.dma_semaphore, #tpu.memory_space<semaphore_mem>>
    %dma_wait3A_38 = arith.constant 0 : i32
    %dma_wait3A_39 = tpu.memref_slice %arg4[%mul3A_28, %dma_wait3A_38] : memref<3276800x64xf32, #tpu.memory_space<hbm>> -> memref<512x64xf32, #tpu.memory_space<hbm>>
    %dma_wait3A_40 = arith.constant 0 : i32
    %dma_wait3A_41 = arith.constant 0 : i32
    %dma_wait3A_42 = tpu.memref_slice %arg6[%dma_wait3A, %dma_wait3A_40, %dma_wait3A_41] : memref<2x512x64xf32, #tpu.memory_space<vmem>> -> memref<1x512x64xf32, #tpu.memory_space<vmem>>
    %dma_wait3A_43 = tpu.memref_squeeze %dma_wait3A_42 : memref<1x512x64xf32, #tpu.memory_space<vmem>> -> memref<512x64xf32, #tpu.memory_space<vmem>>
    tpu.wait_dma2 semaphore(%dma_wait3A_37 : memref<!tpu.dma_semaphore, #tpu.memory_space<semaphore_mem>>) src(%dma_wait3A_43 : memref<512x64xf32, #tpu.memory_space<vmem>>) dst(%dma_wait3A_39 : memref<512x64xf32, #tpu.memory_space<hbm>>)
    %add3A_44 = arith.constant 199 : i32
    %add3A_45 = arith.addi %mul3A_2, %add3A_44 : i32
    %mul3A_46 = arith.constant 512 : i32
    %mul3A_47 = arith.muli %add3A_45, %mul3A_46 : i32
    %dma_wait3A_48 = arith.constant 1 : i32
    %dma_wait3A_49 = arith.constant 1 : i32
    %dma_wait3A_50 = arith.constant 0 : i32
    %dma_wait3A_51 = arith.constant 0 : i32
    %dma_wait3A_52 = tpu.memref_slice %arg6[%dma_wait3A_48, %dma_wait3A_50, %dma_wait3A_51] : memref<2x512x64xf32, #tpu.memory_space<vmem>> -> memref<1x512x64xf32, #tpu.memory_space<vmem>>
    %dma_wait3A_53 = tpu.memref_squeeze %dma_wait3A_52 : memref<1x512x64xf32, #tpu.memory_space<vmem>> -> memref<512x64xf32, #tpu.memory_space<vmem>>
    %dma_wait3A_54 = arith.constant 0 : i32
    %dma_wait3A_55 = tpu.memref_slice %arg4[%mul3A_47, %dma_wait3A_54] : memref<3276800x64xf32, #tpu.memory_space<hbm>> -> memref<512x64xf32, #tpu.memory_space<hbm>>
    %dma_wait3A_56 = tpu.memref_slice %arg8[%dma_wait3A_49] : memref<2x!tpu.dma_semaphore, #tpu.memory_space<semaphore_mem>> -> memref<1x!tpu.dma_semaphore, #tpu.memory_space<semaphore_mem>>
    %dma_wait3A_57 = tpu.memref_squeeze %dma_wait3A_56 : memref<1x!tpu.dma_semaphore, #tpu.memory_space<semaphore_mem>> -> memref<!tpu.dma_semaphore, #tpu.memory_space<semaphore_mem>>
    %dma_wait3A_58 = arith.constant 0 : i32
    %dma_wait3A_59 = tpu.memref_slice %arg4[%mul3A_47, %dma_wait3A_58] : memref<3276800x64xf32, #tpu.memory_space<hbm>> -> memref<512x64xf32, #tpu.memory_space<hbm>>
    %dma_wait3A_60 = arith.constant 0 : i32
    %dma_wait3A_61 = arith.constant 0 : i32
    %dma_wait3A_62 = tpu.memref_slice %arg6[%dma_wait3A_48, %dma_wait3A_60, %dma_wait3A_61] : memref<2x512x64xf32, #tpu.memory_space<vmem>> -> memref<1x512x64xf32, #tpu.memory_space<vmem>>
    %dma_wait3A_63 = tpu.memref_squeeze %dma_wait3A_62 : memref<1x512x64xf32, #tpu.memory_space<vmem>> -> memref<512x64xf32, #tpu.memory_space<vmem>>
    tpu.wait_dma2 semaphore(%dma_wait3A_57 : memref<!tpu.dma_semaphore, #tpu.memory_space<semaphore_mem>>) src(%dma_wait3A_63 : memref<512x64xf32, #tpu.memory_space<vmem>>) dst(%dma_wait3A_59 : memref<512x64xf32, #tpu.memory_space<hbm>>)
    return
  }
}

module attributes {stable_mosaic.version = 14 : i64} {
  func.func @_table_body(%arg0: i32, %arg1: memref<2048x37xf32, #tpu.memory_space<vmem>>, %arg2: memref<37x64xf32, #tpu.memory_space<vmem>>, %arg3: memref<1x64xf32, #tpu.memory_space<vmem>>, %arg4: memref<4x64xf32, #tpu.memory_space<vmem>>, %arg5: memref<2048x64xf32, #tpu.memory_space<vmem>>) attributes {dimension_semantics = [#tpu.dimension_semantics<arbitrary>], iteration_bounds = array<i64: 49>, scalar_prefetch = 0 : i64, scratch_operands = 0 : i64, tpu.core_type = #tpu.core_type<tc>, window_params = [{transform_indices = @transform_0, window_bounds = array<i64: 2048, 37>}, {pipeline_mode = #tpu.pipeline_mode<synchronous>, transform_indices = @transform_1, window_bounds = array<i64: 37, 64>}, {pipeline_mode = #tpu.pipeline_mode<synchronous>, transform_indices = @transform_2, window_bounds = array<i64: 1, 64>}, {pipeline_mode = #tpu.pipeline_mode<synchronous>, transform_indices = @transform_3, window_bounds = array<i64: 4, 64>}, {transform_indices = @transform_4, window_bounds = array<i64: 2048, 64>}]} {
    %get3A = arith.constant 0 : index
    %get3A_0 = arith.constant 0 : index
    %get3A_1 = vector.load %arg1[%get3A, %get3A_0] : memref<2048x37xf32, #tpu.memory_space<vmem>>, vector<2048x37xf32>
    %get3A_2 = arith.constant 0 : index
    %get3A_3 = arith.constant 0 : index
    %get3A_4 = vector.load %arg2[%get3A_2, %get3A_3] : memref<37x64xf32, #tpu.memory_space<vmem>>, vector<37x64xf32>
    %dot_general3A = arith.constant dense<0.000000e+00> : vector<2048x64xf32>
    %dot_general3A_5 = tpu.matmul %get3A_1, %get3A_4, %dot_general3A {dimension_numbers = #tpu.dot_dimension_numbers<[1], [0], [0], [1], [0, 0, 1, 1], [], []>, transpose_lhs_hint = false} : vector<2048x37xf32>, vector<37x64xf32>, vector<2048x64xf32> -> vector<2048x64xf32>
    %get3A_6 = arith.constant 0 : index
    %get3A_7 = arith.constant 0 : index
    %get3A_8 = vector.load %arg3[%get3A_6, %get3A_7] : memref<1x64xf32, #tpu.memory_space<vmem>>, vector<1x64xf32>
    %add3A = vector.broadcast %get3A_8 : vector<1x64xf32> to vector<2048x64xf32>
    %add3A_9 = arith.addf %dot_general3A_5, %add3A : vector<2048x64xf32>
    %mul3A = arith.constant 5.000000e-01 : f32
    %mul3A_10 = vector.broadcast %mul3A : f32 to vector<2048x64xf32>
    %mul3A_11 = arith.mulf %mul3A_10, %add3A_9 : vector<2048x64xf32>
    %mul3A_12 = arith.constant 4.471500e-02 : f32
    %mul3A_13 = vector.broadcast %mul3A_12 : f32 to vector<2048x64xf32>
    %mul3A_14 = arith.mulf %mul3A_13, %add3A_9 : vector<2048x64xf32>
    %mul3A_15 = arith.mulf %mul3A_14, %add3A_9 : vector<2048x64xf32>
    %mul3A_16 = arith.mulf %mul3A_15, %add3A_9 : vector<2048x64xf32>
    %add3A_17 = arith.addf %add3A_9, %mul3A_16 : vector<2048x64xf32>
    %mul3A_18 = arith.constant 0.797884583 : f32
    %mul3A_19 = vector.broadcast %mul3A_18 : f32 to vector<2048x64xf32>
    %mul3A_20 = arith.mulf %mul3A_19, %add3A_17 : vector<2048x64xf32>
    %tanh3A = math.tanh %mul3A_20 : vector<2048x64xf32>
    %add3A_21 = arith.constant 1.000000e+00 : f32
    %add3A_22 = vector.broadcast %add3A_21 : f32 to vector<2048x64xf32>
    %add3A_23 = arith.addf %add3A_22, %tanh3A : vector<2048x64xf32>
    %mul3A_24 = arith.mulf %mul3A_11, %add3A_23 : vector<2048x64xf32>
    %mul3A_25 = arith.constant 8.000000e+00 : f32
    %mul3A_26 = vector.broadcast %mul3A_25 : f32 to vector<2048x64xf32>
    %mul3A_27 = arith.mulf %mul3A_24, %mul3A_26 : vector<2048x64xf32>
    %mul3A_28 = arith.constant 2048 : i32
    %mul3A_29 = arith.muli %arg0, %mul3A_28 : i32
    %iota3A = tpu.iota {dimensions = array<i32: 0>} : vector<2048x1xi32>
    %add3A_30 = vector.broadcast %mul3A_29 : i32 to vector<2048x1xi32>
    %add3A_31 = arith.addi %add3A_30, %iota3A : vector<2048x1xi32>
    %eq3A = arith.constant 0 : i32
    %eq3A_32 = vector.broadcast %eq3A : i32 to vector<2048x1xi32>
    %eq3A_33 = arith.cmpi eq, %add3A_31, %eq3A_32 : vector<2048x1xi32>
    %get3A_34 = arith.constant 0 : index
    %get3A_35 = arith.constant 0 : index
    %get3A_36 = vector.load %arg4[%get3A_34, %get3A_35] : memref<4x64xf32, #tpu.memory_space<vmem>>, vector<1x64xf32>
    %broadcast_in_dim3A = vector.shape_cast %eq3A_33 : vector<2048x1xi1> to vector<2048x1xi1>
    %broadcast_in_dim3A_37 = vector.broadcast %broadcast_in_dim3A : vector<2048x1xi1> to vector<2048x64xi1>
    %broadcast_in_dim3A_38 = vector.shape_cast %get3A_36 : vector<1x64xf32> to vector<1x64xf32>
    %broadcast_in_dim3A_39 = vector.broadcast %broadcast_in_dim3A_38 : vector<1x64xf32> to vector<2048x64xf32>
    %select_n3A = arith.select %broadcast_in_dim3A_37, %broadcast_in_dim3A_39, %mul3A_27 : vector<2048x64xi1>, vector<2048x64xf32>
    %eq3A_40 = arith.constant 99998 : i32
    %eq3A_41 = vector.broadcast %eq3A_40 : i32 to vector<2048x1xi32>
    %eq3A_42 = arith.cmpi eq, %add3A_31, %eq3A_41 : vector<2048x1xi32>
    %get3A_43 = arith.constant 1 : index
    %get3A_44 = arith.constant 0 : index
    %get3A_45 = vector.load %arg4[%get3A_43, %get3A_44] : memref<4x64xf32, #tpu.memory_space<vmem>>, vector<1x64xf32>
    %broadcast_in_dim3A_46 = vector.shape_cast %eq3A_42 : vector<2048x1xi1> to vector<2048x1xi1>
    %broadcast_in_dim3A_47 = vector.broadcast %broadcast_in_dim3A_46 : vector<2048x1xi1> to vector<2048x64xi1>
    %broadcast_in_dim3A_48 = vector.shape_cast %get3A_45 : vector<1x64xf32> to vector<1x64xf32>
    %broadcast_in_dim3A_49 = vector.broadcast %broadcast_in_dim3A_48 : vector<1x64xf32> to vector<2048x64xf32>
    %select_n3A_50 = arith.select %broadcast_in_dim3A_47, %broadcast_in_dim3A_49, %select_n3A : vector<2048x64xi1>, vector<2048x64xf32>
    %eq3A_51 = arith.constant 99999 : i32
    %eq3A_52 = vector.broadcast %eq3A_51 : i32 to vector<2048x1xi32>
    %eq3A_53 = arith.cmpi eq, %add3A_31, %eq3A_52 : vector<2048x1xi32>
    %get3A_54 = arith.constant 2 : index
    %get3A_55 = arith.constant 0 : index
    %get3A_56 = vector.load %arg4[%get3A_54, %get3A_55] : memref<4x64xf32, #tpu.memory_space<vmem>>, vector<1x64xf32>
    %broadcast_in_dim3A_57 = vector.shape_cast %eq3A_53 : vector<2048x1xi1> to vector<2048x1xi1>
    %broadcast_in_dim3A_58 = vector.broadcast %broadcast_in_dim3A_57 : vector<2048x1xi1> to vector<2048x64xi1>
    %broadcast_in_dim3A_59 = vector.shape_cast %get3A_56 : vector<1x64xf32> to vector<1x64xf32>
    %broadcast_in_dim3A_60 = vector.broadcast %broadcast_in_dim3A_59 : vector<1x64xf32> to vector<2048x64xf32>
    %select_n3A_61 = arith.select %broadcast_in_dim3A_58, %broadcast_in_dim3A_60, %select_n3A_50 : vector<2048x64xi1>, vector<2048x64xf32>
    %eq3A_62 = arith.constant 100000 : i32
    %eq3A_63 = vector.broadcast %eq3A_62 : i32 to vector<2048x1xi32>
    %eq3A_64 = arith.cmpi eq, %add3A_31, %eq3A_63 : vector<2048x1xi32>
    %get3A_65 = arith.constant 3 : index
    %get3A_66 = arith.constant 0 : index
    %get3A_67 = vector.load %arg4[%get3A_65, %get3A_66] : memref<4x64xf32, #tpu.memory_space<vmem>>, vector<1x64xf32>
    %broadcast_in_dim3A_68 = vector.shape_cast %eq3A_64 : vector<2048x1xi1> to vector<2048x1xi1>
    %broadcast_in_dim3A_69 = vector.broadcast %broadcast_in_dim3A_68 : vector<2048x1xi1> to vector<2048x64xi1>
    %broadcast_in_dim3A_70 = vector.shape_cast %get3A_67 : vector<1x64xf32> to vector<1x64xf32>
    %broadcast_in_dim3A_71 = vector.broadcast %broadcast_in_dim3A_70 : vector<1x64xf32> to vector<2048x64xf32>
    %select_n3A_72 = arith.select %broadcast_in_dim3A_69, %broadcast_in_dim3A_71, %select_n3A_61 : vector<2048x64xi1>, vector<2048x64xf32>
    %swap3A = arith.constant 0 : index
    %swap3A_73 = arith.constant 0 : index
    %swap3A_74 = vector.load %arg5[%swap3A, %swap3A_73] : memref<2048x64xf32, #tpu.memory_space<vmem>>, vector<2048x64xf32>
    tpu.vector_store %arg5[%swap3A, %swap3A_73], %select_n3A_72 {strides = array<i32>} : memref<2048x64xf32, #tpu.memory_space<vmem>>, vector<2048x64xf32>,
    return
  }
  func.func @transform_0(%arg0: i32) -> (i32, i32) {
    %c0_i32 = arith.constant 0 : i32
    %c0_i32_0 = arith.constant 0 : i32
    return %arg0, %c0_i32 : i32, i32
  }
  func.func @transform_1(%arg0: i32) -> (i32, i32) {
    %c0_i32 = arith.constant 0 : i32
    %c0_i32_0 = arith.constant 0 : i32
    %c0_i32_1 = arith.constant 0 : i32
    return %c0_i32, %c0_i32_0 : i32, i32
  }
  func.func @transform_2(%arg0: i32) -> (i32, i32) {
    %c0_i32 = arith.constant 0 : i32
    %c0_i32_0 = arith.constant 0 : i32
    %c0_i32_1 = arith.constant 0 : i32
    return %c0_i32, %c0_i32_0 : i32, i32
  }
  func.func @transform_3(%arg0: i32) -> (i32, i32) {
    %c0_i32 = arith.constant 0 : i32
    %c0_i32_0 = arith.constant 0 : i32
    %c0_i32_1 = arith.constant 0 : i32
    return %c0_i32, %c0_i32_0 : i32, i32
  }
  func.func @transform_4(%arg0: i32) -> (i32, i32) {
    %c0_i32 = arith.constant 0 : i32
    %c0_i32_0 = arith.constant 0 : i32
    return %arg0, %c0_i32 : i32, i32
  }
}

</mosaic_0001>

<sc_bundles>
// kernel: kernel.4.cloned.1.call-start
scs
__scs_entry_jumppad:
0x0: {  	(pc) =	sbr.rel $0x88, $3  }
0x1: {  	(tag) =	ssettag $0x0;
	lr =	simm.s32 $0x1  }
0x2: {  	[smem:$0x3F9C] =	sst lr;
	_ =	strace $0xD0000000  }
0x3: {  	_ = 	snop  }
0x4: {  	_ = 	snop  }
0x5: {  	_ = 	snop  }
0x6: {  	_ = 	snop  }
0x7: {  	_ = 	snop  }
__scs_overlays_trampoline_lowered:
0x8: {  	[smem:$0x3FAB] =	sst s0  }
0x9: {  	[smem:$0x3FAC] =	sst s1  }
0xa: {  	[smem:$0x3FAD] =	sst s2  }
0xb: {  	[smem:$0x3FAE] =	sst s3  }
0xc: {  	[smem:$0x3FAF] =	sst s4  }
0xd: {  	[smem:$0x3FB0] =	sst s5  }
0xe: {  	[smem:$0x3FB1] =	sst s6  }
0xf: {  	[smem:$0x3FB2] =	sst s7  }
0x10: {  	[smem:$0x3FB3] =	sst s8  }
0x11: {  	[smem:$0x3FB4] =	sst s9;
	s0 =	simm.s32 @!p0 $0x0  }
0x12: {  	s1 =	sld [smem:$0x3F9A];
	s0 =	simm.s32 @p0 $0x1  }
0x13: {  	[smem:$0x3FB5] =	sst s0;
	s0 =	simm.s32 @!p1 $0x0  }
0x14: {  	s2 =	sld [smem:$0x3F99];
	s0 =	simm.s32 @p1 $0x1  }
0x15: {  	[smem:$0x3FB6] =	sst s0;
	s0 =	simm.s32 @!p2 $0x0  }
0x16: {  	s3 =	sld [smem:$0x3FDB];
	s0 =	simm.s32 @p2 $0x1  }
0x17: {  	s4 =	simm.s32 $0x1BF5;
	[smem:$0x3FB8] =	sst s0  }
0x18: {  	s0 =	sld [smem:$0x3F9B];
	_ =	swait.ge [sflag:s4], $0x0  }
0x19: {  	s7 =	sld [smem:$0x3F9C]  }
0x1a: {  	s8 =	sadd.s32 $0xFFFFE003, lr  }
0x1b: {  	s9 =	sadd.s32 $0xFFFFFEF7, lr;
	s5 =	simm.s32 $0xFFFFFFFF;
	p2 =	slt.u32 s8, $0xFFFFF086  }
0x1c: {  	p1 =	slt.u32 s9, $0xF7A;
	s5 =	simm.s32 @!p2 $0x0  }
0x1d: {  	s5 =	simm.s32 @p1 $0x1;
	p0 =	seq.s32 s7, s2  }
0x1e: {  	s7 =	smul.u32 @!p0 $0xF7A, s2;
	p2 =	seq.s32 @!p0 s5, $0x0  }
0x1f: {  	s9 =	smul.u32 $0xF7A, s1;
	s8 =	simm.s32 @!p0 $0x1BF5;
	p2 =	por !p2, p0  }
0x20: {  	[sflag:s8] =	ssyncset.s32 @!p0 $0xFFFFF086;
	s6 =	sadd.s32 @!p0 s3, s7;
	s7 =	simm.s32 @!p0 $0x108  }
0x21: {  	s3 =	sadd.s32 s3, s9;
	s6 =	sadd.s32 @!p0 $0x88, s6;
	s7 =	simm.s32 @p2 $0x1082  }
0x22: {  	[simem:s7], [sflag:s8] =	dma.local @!p0 [hbm:s6], $0xF7A  }
0x23: {  	s9 =	sor.u32 $0xD0000000, s2;
	s6 =	simm.s32 $0x108;
	_ =	swait.ge @!p0 [sflag:s8], $0x0  }
0x24: {  	s3 =	sadd.s32 $0x88, s3;
	s6 =	simm.s32 @!p1 $0x1082;
	[sflag:s4] =	ssyncset.s32 $0xFFFFF086  }
0x25: {  	[simem:s6], [sflag:s4] =	dma.local [hbm:s3], $0xF7A  }
0x26: {  	[smem:$0x3F9C] =	sst s1;
	(tag) =	ssettag s2;
	_ =	strace s9  }
0x27: {  	s1 =	sld [smem:$0x3FAC]  }
0x28: {  	s2 =	sld [smem:$0x3FAD]  }
0x29: {  	s4 =	sld [smem:$0x3FAF]  }
0x2a: {  	p0 =	seq.s32 s5, $0x0;
	s5 =	sld [smem:$0x3FB0]  }
0x2b: {  	s6 =	sld [smem:$0x3FB1]  }
0x2c: {  	s7 =	sld [smem:$0x3FB2]  }
0x2d: {  	s3 =	simm.s32 $0x108;
	s8 =	sld [smem:$0x3FB3]  }
0x2e: {  	s3 =	simm.s32 @!p0 $0x1082;
	s9 =	sld [smem:$0x3FB4]  }
0x2f: {  	lr =	sadd.s32 s0, s3;
	s0 =	sld [smem:$0x3FAB]  }
0x30: {  	s3 =	sld [smem:$0x3FAE]  }
0x31: {  	[smem:$0x3FB7] =	sst s10  }
0x32: {  	s10 =	sld [smem:$0x3FB5];
	_ =	sdelay $0x3  }
0x33: {  	p0 =	seq.s32 s10, $0x1;
	s10 =	sld [smem:$0x3FB7];
	_ =	sdelay $0x3  }
0x34: {  	[smem:$0x3FB7] =	sst s10  }
0x35: {  	s10 =	sld [smem:$0x3FB6];
	_ =	sdelay $0x3  }
0x36: {  	p1 =	seq.s32 s10, $0x1;
	s10 =	sld [smem:$0x3FB7];
	_ =	sdelay $0x3  }
0x37: {  	[smem:$0x3FB7] =	sst s10  }
0x38: {  	s10 =	sld [smem:$0x3FB8]  }
0x39: {  	_ = 	snop;
	(pc) =	sbr.ind lr, $3  }
0x3a: {  	_ = 	snop  }
0x3b: {  	_ = 	snop  }
0x3c: {  	p2 =	seq.s32 s10, $0x1;
	s10 =	sld [smem:$0x3FB7]  }
0x3d: {  	_ =	shalt  }
0x3e: {  	_ =	shalt  }
0x3f: {  	_ =	shalt  }
0x40: {  	_ =	shalt  }
0x41: {  	_ =	shalt  }
0x42: {  	_ =	shalt  }
0x43: {  	_ =	shalt  }
0x44: {  	_ =	shalt  }
0x45: {  	_ =	shalt  }
0x46: {  	_ =	shalt  }
0x47: {  	_ =	shalt  }
0x48: {  	_ =	shalt  }
0x49: {  	_ =	shalt  }
0x4a: {  	_ =	shalt  }
0x4b: {  	_ =	shalt  }
0x4c: {  	_ =	shalt  }
0x4d: {  	_ =	shalt  }
0x4e: {  	_ =	shalt  }
0x4f: {  	_ =	shalt  }
0x50: {  	_ =	shalt  }
0x51: {  	_ =	shalt  }
0x52: {  	_ =	shalt  }
0x53: {  	_ =	shalt  }
0x54: {  	_ =	shalt  }
0x55: {  	_ =	shalt  }
0x56: {  	_ =	shalt  }
0x57: {  	_ =	shalt  }
0x58: {  	_ =	shalt  }
0x59: {  	_ =	shalt  }
0x5a: {  	_ =	shalt  }
0x5b: {  	_ =	shalt  }
0x5c: {  	_ =	shalt  }
0x5d: {  	_ =	shalt  }
0x5e: {  	_ =	shalt  }
0x5f: {  	_ =	shalt  }
0x60: {  	_ =	shalt  }
0x61: {  	_ =	shalt  }
0x62: {  	_ =	shalt  }
0x63: {  	_ =	shalt  }
0x64: {  	_ =	shalt  }
0x65: {  	_ =	shalt  }
0x66: {  	_ =	shalt  }
0x67: {  	_ =	shalt  }
0x68: {  	_ =	shalt  }
0x69: {  	_ =	shalt  }
0x6a: {  	_ =	shalt  }
0x6b: {  	_ =	shalt  }
0x6c: {  	_ =	shalt  }
0x6d: {  	_ =	shalt  }
0x6e: {  	_ =	shalt  }
0x6f: {  	_ =	shalt  }
0x70: {  	_ =	shalt  }
0x71: {  	_ =	shalt  }
0x72: {  	_ =	shalt  }
0x73: {  	_ =	shalt  }
0x74: {  	_ =	shalt  }
0x75: {  	_ =	shalt  }
0x76: {  	_ =	shalt  }
0x77: {  	_ =	shalt  }
0x78: {  	_ =	shalt  }
0x79: {  	_ =	shalt  }
0x7a: {  	_ =	shalt  }
0x7b: {  	_ =	shalt  }
0x7c: {  	_ =	shalt  }
0x7d: {  	_ =	shalt  }
0x7e: {  	_ =	shalt  }
0x7f: {  	_ =	shalt  }
0x80: {  	_ =	shalt  }
0x81: {  	_ =	shalt  }
0x82: {  	_ =	shalt  }
0x83: {  	_ =	shalt  }
0x84: {  	_ =	shalt  }
0x85: {  	_ =	shalt  }
0x86: {  	_ =	shalt  }
0x87: {  	_ =	shalt  }
.Lfunc_end0:
.L_simem_size_0:
called_computation.1_lowered:
.L_overlay_start_0:
0x88: {  	s2 =	sld [smem:$0x3FD9]  }
0x89: {  	s3 =	sld [smem:$0x3FFE];
	_ =	sdelay $0x1  }
0x8a: {  	s1 =	srdreg.scid  }
0x8b: {  	s0 =	sand.u32 $0x1, s1  }
0x8c: {  	s17 =	sshll.u32 s0, $0xA;
	s2 =	sadd.s32 s3, s2  }
0x8d: {  	s2 =	sadd.s32 s2, s17  }
0x8e: {  	[smem:$0x3FC3] =	sst s2  }
0x8f: {  	_ = 	snop  }
0x90: {  	s2 =	sld [smem:$0x3FD0];
	(tm) =	ssettm $0x1  }
0x91: {  	s18 =	sld [smem:$0x3FFB];
	_ =	sdelay $0x3  }
0x92: {  	_ =	strace s18  }
0x93: {  	s3 =	sld [smem:$0x3FFC];
	_ =	sdelay $0x3  }
0x94: {  	_ =	strace s3  }
0x95: {  	s3 =	sld [smem:$0x3FFD];
	_ =	sdelay $0x3  }
0x96: {  	_ =	strace s3  }
0x97: {  	_ =	strace $0x8FFFFFFF  }
0x98: {  	s19 =	sld [smem:$0x3FDB];
	_ =	sdelay $0x1  }
0x99: {  	s4 =	simm.s32 $_scs_section_size  }
0x9a: {  	s5 =	simm.s32 $_size__tile_overlayer_lowered;
	s6 =	simm.s32 $_tile_overlayer_lowered  }
0x9b: {  	s22 =	simm.s32 $0x1BFF;
	s21 =	sshll.u32 s6, $0x1;
	s3 =	sadd.s32 s4, s19  }
0x9c: {  	s7 =	simm.s32 $0x0;
	s20 =	sshll.u32 s5, $0x1;
	s5 =	sadd.s32 s21, s3  }
0x9d: {  	[timem:s7], [sflag:s22] =	dma.local [hbm:s5], s20  }
0x9e: {  	_ =	swait.ge [sflag:s22], s20  }
0x9f: {  	s4 =	ssub.s32 $0x0, s20;
	[sflag:s22] =	ssyncset.done $0x0  }
0xa0: {  	[sflag:s22] =	ssyncadd.s32 s4;
	_ =	sdelay $0x1  }
0xa1: {  	s23 =	simm.s32 $0x1B8B  }
0xa2: {  	_ =	swait.ge [sflag:s23], $0x1  }
0xa3: {  	[sflag:s23] =	ssyncset.done $0x0  }
0xa4: {  	s25 =	simm.s32 $0x1B8E;
	s24 =	sld [smem:$0x3FFE];
	[sflag:s23] =	ssyncadd.s32 $0xFFFFFFFF  }
0xa5: {  	s26 =	simm.s32 $execute0_lowered;
	[smem:$0x3FD2] =	sst s25  }
0xa6: {  	s5 =	sshll.u32 s26, $0x1;
	_ =	strace $0x80000046;
	[dreg:$0x1] =	wrdreg $0xFFFFFFFF  }
0xa7: {  	s28 =	simm.s32 $_size_execute0_lowered;
	s3 =	sadd.s32 s3, s5;
	[dreg:$0x0] =	wrdreg $0x0  }
0xa8: {  	s5 =	sshll.u32 s28, $0x1;
	[dreg:$0x2] =	wrdreg s3  }
0xa9: {  	[dreg:$0x3] =	wrdreg s5  }
0xaa: {  	[dreg:$0x4] =	wrdreg $0xC0  }
0xab: {  	_ =	task [dreg:s7], $0x5FFFF  }
0xac: {  	[dreg:$0x1] =	wrdreg $0xFFFFFFFF  }
0xad: {  	[dreg:$0x0] =	wrdreg $0x60  }
0xae: {  	[dreg:$0x2] =	wrdreg s24  }
0xaf: {  	[dreg:$0x3] =	wrdreg s2  }
0xb0: {  	[dreg:$0x4] =	wrdreg $0x9  }
0xb1: {  	_ =	task.clear_ibuf [dreg:s7], $0x5FFFF;
	_ =	strace $0x90000046  }
0xb2: {  	s29 =	simm.s32 $0x9;
	_ =	strace $0x80000048  }
0xb3: {  	_ =	swait.ge [sflag:s29], $0x1  }
0xb4: {  	[sflag:s29] =	ssyncadd.s32 $0xFFFFFFFF  }
0xb5: {  	_ =	strace $0x90000048  }
0xb6: {  	_ =	sfence  }
0xb7: {  	s30 =	sld [smem:$0x0];
	_ =	sdelay $0x2  }
0xb8: {  	s31 =	sshll.u32 s1, $0xD;
	s1 =	sshrl.u32 s1, $0x2  }
0xb9: {  	s3 =	sand.u32 $0x4000, s31;
	s1 =	sadd.s32 s1, s30  }
0xba: {  	s0 =	sor.u32 s3, s0;
	s1 =	sshll.u32 s1, $0x11  }
0xbb: {  	s0 =	sor.u32 s1, s0  }
0xbc: {  	s0 =	sadd.s32 $0x8F2B, s0  }
0xbd: {  	[sflag:s0] =	ssyncadd.remote.s32 $0x1  }
0xbe: {  	_ =	sfence.sel $0xFFFF  }
0xbf: {  	[dreg:$0x0] =	wrdreg $0xFFFFFFFF;
	(pc) =	sbr.abs _section_cstart, $3  }
0xc0: {  	[dreg:$0x1] =	wrdreg $0xFFFFFFFF  }
0xc1: {  	_ =	task.clear_ibuf [dreg:s7], $0x2FFFF;
	_ =	strace $0x9FFFFFFF  }
0xc2: {  	(tm) =	ssettm $0x7FFFFFFF  }
0xc3: {  	_ =	shalt  }
tec
execute0_lowered:
.L_overlay_start_1:
0x0: {  	(tag) =	ssettag $0x1  }
0x1: {  	s5 =	rddreg [dreg:$0x0]  }
0x2: {  	s13 =	rddreg [dreg:$0x1];
	s1 =	stileid.u32  }
0x3: {  	s0 =	rddreg [dreg:$0x2];
	s2 =	simm.s32 $0x0;
	s16 =	smul.u32 $0x190, s1  }
0x4: {  	s3 =	srdreg.scid;
	s21 =	simm.s32 $0x3;
	s18 =	smul.u32 $0x6400, s1  }
0x5: {  	s22 =	simm.s32 $0x2;
	s14 =	sand.u32 $0x1, s3;
	s29 =	smul.u32 $0x190000, s1  }
0x6: {  	s23 =	simm.s32 $0x4;
	[smem:$0x7FF] =	sst s2;
	s17 =	smul.u32 $0xC8, s14  }
0x7: {  	s24 =	sshll.u32 s1, $0x1;
	s15 =	sadd.s32 $0x1E00, s5;
	s20 =	smul.u32 $0x3200, s14  }
0x8: {  	s4 =	ssub.s32 $0x2, s14;
	s6 =	sor.u32 s14, s24;
	s14 =	smul.u32 $0xC8000, s14  }
0x9: {  	s3 =	sadd.s32 $0x1ECA00, s5;
	s11 =	sadd.s32 $0x1E40, s5;
	s8 =	smul.u32 $0x3200, s6  }
0xa: {  	_ =	strace $0x80000047;
	s24 =	simm.s32 $0x0;
	s10 =	smul.u32 $0xC8, s6  }
0xb: {  	s7 =	sshrl.u32 s4, $0x1;
	s9 =	smul.u32 $0xC8000, s6;
	s30 =	sadd.s32 s29, s13  }
0xc: {  	s7 =	ssub.s32 s4, s7;
	s16 =	sadd.s32 s17, s16;
	s31 =	sadd.s32 s14, s30  }
0xd: {  	s17 =	simm.s32 $0x200;
	s4 =	sadd.s32 s15, s8;
	s5 =	smax.u32 s7, $0x1  }
0xe: {  	s6 =	sadd.s32 s8, s11;
	s12 =	sor.u32 $0x1, s10;
	s7 =	sadd.s32 s13, s9  }
0xf: {  	s10 =	sadd.s32 $0xC6, s10;
	s16 =	sshll.u32 s16, $0xC;
	s15 =	sadd.s32 s18, s15  }
0x10: {  	s18 =	simm.s32 $0x400;
	s25 =	sshll.u32 s12, $0x6;
	s26 =	sshll.u32 s12, $0xC  }
0x11: {  	s28 =	sshll.u32 s10, $0x6;
	s19 =	sshll.u32 s10, $0xC;
	s12 =	sadd.s32 $0xC7000, s7  }
0x12: {  	s15 =	sadd.s32 s20, s15;
	s20 =	simm.s32 $0x1;
	s8 =	sadd.s32 s25, s11  }
0x13: {  	s9 =	sadd.s32 s13, s26;
	s10 =	sadd.s32 s28, s11;
	s11 =	sadd.s32 s13, s19  }
0x14: {  	s13 =	sadd.s32 s16, s13;
	s14 =	sadd.s32 $0x100, s15;
	s15 =	sadd.s32 $0x2000, s31  }
0x15: {  	s16 =	simm.s32 $0x5;
	s19 =	simm.s32 $0x8400;
	s13 =	sadd.s32 $0x3000, s13  }
.LBB2_1:
0x16: {  	[tilespmem:s2], [sflag:$0x5] =	stream.linear.gather [hbm4b:s4+s2], $0x200, $0x38;
	[tilespmem:$0x10400] =	vst v63  }
0x17: {  	_ =	swait.ge [sflag:s16], $0x200  }
0x18: {  	[sflag:s16] =	ssyncset.done $0x0  }
0x19: {  	[sflag:s16] =	ssyncadd.s32 $0xFFFFFE00  }
0x1a: {  	[tilespmem:s18], [sflag:$0x1] =	stream.indirect.gather [hbm4b:s3+s17], $0x40, s2, s17, $0xb8;
	[tilespmem:$0x10400] =	vst v63  }
0x1b: {  	_ = 	snop  }
0x1c: {  	[tilespmem:s17], [sflag:$0x5] =	stream.linear.gather [hbm4b:s6+s2], $0x200, $0x38;
	[tilespmem:$0x10400] =	vst v63  }
0x1d: {  	_ =	swait.ge [sflag:s16], $0x200  }
0x1e: {  	[sflag:s16] =	ssyncset.done $0x0  }
0x1f: {  	[sflag:s16] =	ssyncadd.s32 $0xFFFFFE00  }
0x20: {  	[tilespmem:s19], [sflag:$0x2] =	stream.indirect.gather [hbm4b:s3+s17], $0x40, s17, s17, $0xb8;
	[tilespmem:$0x10400] =	vst v63  }
0x21: {  	_ =	swait.ge [sflag:s20], $0x8000  }
0x22: {  	[sflag:s20] =	ssyncset.done $0x0  }
0x23: {  	[sflag:s20] =	ssyncadd.s32 $0xFFFF8000  }
0x24: {  	[hbm4b:s7+s2] =	stream.linear.scatter [tilespmem:s18], [sflag:$0x3], $0x8000, $0x38;
	[tilespmem:$0x10400] =	vst v63  }
0x25: {  	_ = 	snop  }
0x26: {  	[tilespmem:s2], [sflag:$0x5] =	stream.linear.gather [hbm4b:s8+s2], $0x200, $0x38;
	[tilespmem:$0x10400] =	vst v63  }
0x27: {  	_ =	swait.ge [sflag:s16], $0x200  }
0x28: {  	[sflag:s16] =	ssyncset.done $0x0  }
0x29: {  	[sflag:s16] =	ssyncadd.s32 $0xFFFFFE00  }
0x2a: {  	_ =	swait.ge [sflag:s21], $0x8000  }
0x2b: {  	[sflag:s21] =	ssyncset.done $0x0  }
0x2c: {  	[sflag:s21] =	ssyncadd.s32 $0xFFFF8000  }
0x2d: {  	[tilespmem:s18], [sflag:$0x1] =	stream.indirect.gather [hbm4b:s3+s17], $0x40, s2, s17, $0xb8;
	[tilespmem:$0x10400] =	vst v63  }
0x2e: {  	_ =	swait.ge [sflag:s22], $0x8000  }
0x2f: {  	[sflag:s22] =	ssyncset.done $0x0  }
0x30: {  	[sflag:s22] =	ssyncadd.s32 $0xFFFF8000  }
0x31: {  	[hbm4b:s9+s2] =	stream.linear.scatter [tilespmem:s19], [sflag:$0x4], $0x8000, $0x38;
	[tilespmem:$0x10400] =	vst v63  }
0x32: {  	s25 =	sadd.s32 $0xFFFFFFC0, s14  }
0x33: {  	[tilespmem:s17], [sflag:$0x5] =	stream.linear.gather [hbm4b:s25+s2], $0x200, $0x38;
	[tilespmem:$0x10400] =	vst v63  }
0x34: {  	_ =	swait.ge [sflag:s16], $0x200  }
0x35: {  	[sflag:s16] =	ssyncset.done $0x0  }
0x36: {  	[sflag:s16] =	ssyncadd.s32 $0xFFFFFE00  }
0x37: {  	_ =	swait.ge [sflag:s23], $0x8000  }
0x38: {  	[sflag:s23] =	ssyncset.done $0x0  }
0x39: {  	[sflag:s23] =	ssyncadd.s32 $0xFFFF8000  }
0x3a: {  	[tilespmem:s19], [sflag:$0x2] =	stream.indirect.gather [hbm4b:s3+s17], $0x40, s17, s17, $0xb8;
	[tilespmem:$0x10400] =	vst v63  }
0x3b: {  	_ =	swait.ge [sflag:s20], $0x8000  }
0x3c: {  	[sflag:s20] =	ssyncset.done $0x0  }
0x3d: {  	s31 =	sadd.s32 $0x0, s15;
	[sflag:s20] =	ssyncadd.s32 $0xFFFF8000  }
0x3e: {  	[hbm4b:s31+s2] =	stream.linear.scatter [tilespmem:s18], [sflag:$0x3], $0x8000, $0x38;
	[tilespmem:$0x10400] =	vst v63  }
0x3f: {  	_ = 	snop  }
0x40: {  	[tilespmem:s2], [sflag:$0x5] =	stream.linear.gather [hbm4b:s14+s2], $0x200, $0x38;
	[tilespmem:$0x10400] =	vst v63  }
0x41: {  	_ =	swait.ge [sflag:s16], $0x200  }
0x42: {  	[sflag:s16] =	ssyncset.done $0x0  }
0x43: {  	[sflag:s16] =	ssyncadd.s32 $0xFFFFFE00  }
0x44: {  	_ =	swait.ge [sflag:s21], $0x8000  }
0x45: {  	[sflag:s21] =	ssyncset.done $0x0  }
0x46: {  	[sflag:s21] =	ssyncadd.s32 $0xFFFF8000  }
0x47: {  	[tilespmem:s18], [sflag:$0x1] =	stream.indirect.gather [hbm4b:s3+s17], $0x40, s2, s17, $0xb8;
	[tilespmem:$0x10400] =	vst v63  }
0x48: {  	_ =	swait.ge [sflag:s22], $0x8000  }
0x49: {  	s28 =	sadd.s32 $0x0, s13;
	[sflag:s22] =	ssyncset.done $0x0  }
0x4a: {  	s26 =	sadd.s32 $0x80, s14;
	s25 =	simm.s32 $0x2000;
	[sflag:s22] =	ssyncadd.s32 $0xFFFF8000  }
.LBB2_2:
0x4b: {  	[hbm4b:s28+s2] =	stream.linear.scatter [tilespmem:s19], [sflag:$0x4], $0x8000, $0x38;
	[tilespmem:$0x10400] =	vst v63  }
0x4c: {  	s28 =	smov.u32 s25  }
0x4d: {  	s29 =	sadd.s32 $0xFFFFFFC0, s26;
	p0 =	sne.s32 s25, $0xC2000;
	s25 =	sadd.s32 $0x2000, s25  }
0x4e: {  	[tilespmem:s17], [sflag:$0x5] =	stream.linear.gather [hbm4b:s29+s2], $0x200, $0x38;
	[tilespmem:$0x10400] =	vst v63  }
0x4f: {  	_ =	swait.ge [sflag:s16], $0x200  }
0x50: {  	[sflag:s16] =	ssyncset.done $0x0  }
0x51: {  	[sflag:s16] =	ssyncadd.s32 $0xFFFFFE00  }
0x52: {  	_ =	swait.ge [sflag:s23], $0x8000  }
0x53: {  	[sflag:s23] =	ssyncset.done $0x0  }
0x54: {  	[sflag:s23] =	ssyncadd.s32 $0xFFFF8000  }
0x55: {  	[tilespmem:s19], [sflag:$0x2] =	stream.indirect.gather [hbm4b:s3+s17], $0x40, s17, s17, $0xb8;
	[tilespmem:$0x10400] =	vst v63  }
0x56: {  	_ =	swait.ge [sflag:s20], $0x8000  }
0x57: {  	[sflag:s20] =	ssyncset.done $0x0  }
0x58: {  	s29 =	sadd.s32 s28, s15;
	[sflag:s20] =	ssyncadd.s32 $0xFFFF8000  }
0x59: {  	[hbm4b:s29+s2] =	stream.linear.scatter [tilespmem:s18], [sflag:$0x3], $0x8000, $0x38;
	[tilespmem:$0x10400] =	vst v63  }
0x5a: {  	_ = 	snop  }
0x5b: {  	[tilespmem:s2], [sflag:$0x5] =	stream.linear.gather [hbm4b:s26+s2], $0x200, $0x38;
	[tilespmem:$0x10400] =	vst v63  }
0x5c: {  	_ =	swait.ge [sflag:s16], $0x200  }
0x5d: {  	[sflag:s16] =	ssyncset.done $0x0  }
0x5e: {  	[sflag:s16] =	ssyncadd.s32 $0xFFFFFE00  }
0x5f: {  	_ =	swait.ge [sflag:s21], $0x8000  }
0x60: {  	[sflag:s21] =	ssyncset.done $0x0  }
.Ltmp0:
0x61: {  	[sflag:s21] =	ssyncadd.s32 $0xFFFF8000;
	(pc) =	sbr.rel @p0 .LBB2_2-.Ltmp0, $4  }
0x62: {  	[tilespmem:s18], [sflag:$0x1] =	stream.indirect.gather [hbm4b:s3+s17], $0x40, s2, s17, $0xb8;
	[tilespmem:$0x10400] =	vst v63  }
0x63: {  	_ =	swait.ge [sflag:s22], $0x8000  }
0x64: {  	[sflag:s22] =	ssyncset.done $0x0  }
0x65: {  	s28 =	sadd.s32 s28, s13;
	s26 =	sadd.s32 $0x80, s26;
	[sflag:s22] =	ssyncadd.s32 $0xFFFF8000  }
0x66: {  	[hbm4b:s28+s2] =	stream.linear.scatter [tilespmem:s19], [sflag:$0x4], $0x8000, $0x38;
	[tilespmem:$0x10400] =	vst v63  }
0x67: {  	_ = 	snop  }
0x68: {  	[tilespmem:s17], [sflag:$0x5] =	stream.linear.gather [hbm4b:s10+s2], $0x200, $0x38;
	[tilespmem:$0x10400] =	vst v63  }
0x69: {  	_ =	swait.ge [sflag:s16], $0x200  }
0x6a: {  	[sflag:s16] =	ssyncset.done $0x0  }
0x6b: {  	[sflag:s16] =	ssyncadd.s32 $0xFFFFFE00  }
0x6c: {  	_ =	swait.ge [sflag:s23], $0x8000  }
0x6d: {  	[sflag:s23] =	ssyncset.done $0x0  }
0x6e: {  	[sflag:s23] =	ssyncadd.s32 $0xFFFF8000  }
0x6f: {  	[tilespmem:s19], [sflag:$0x2] =	stream.indirect.gather [hbm4b:s3+s17], $0x40, s17, s17, $0xb8;
	[tilespmem:$0x10400] =	vst v63  }
0x70: {  	_ =	swait.ge [sflag:s20], $0x8000  }
0x71: {  	[sflag:s20] =	ssyncset.done $0x0  }
0x72: {  	[sflag:s20] =	ssyncadd.s32 $0xFFFF8000  }
0x73: {  	[hbm4b:s11+s2] =	stream.linear.scatter [tilespmem:s18], [sflag:$0x3], $0x8000, $0x38;
	[tilespmem:$0x10400] =	vst v63  }
0x74: {  	_ =	swait.ge [sflag:s22], $0x8000  }
0x75: {  	[sflag:s22] =	ssyncset.done $0x0  }
0x76: {  	s24 =	sadd.s32 $0x1, s24;
	[sflag:s22] =	ssyncadd.s32 $0xFFFF8000  }
0x77: {  	[hbm4b:s12+s2] =	stream.linear.scatter [tilespmem:s19], [sflag:$0x4], $0x8000, $0x38;
	[tilespmem:$0x10400] =	vst v63  }
0x78: {  	p0 =	sne.s32 s24, s5;
	_ =	swait.ge [sflag:s21], $0x8000  }
.Ltmp1:
0x79: {  	[sflag:s21] =	ssyncset.done $0x0;
	(pc) =	sbr.rel @p0 .LBB2_1-.Ltmp1, $4  }
0x7a: {  	[sflag:s21] =	ssyncadd.s32 $0xFFFF8000  }
0x7b: {  	_ =	swait.ge [sflag:s23], $0x8000  }
0x7c: {  	[sflag:s23] =	ssyncset.done $0x0  }
0x7d: {  	[sflag:s23] =	ssyncadd.s32 $0xFFFF8000  }
0x7e: {  	_ =	sfence.sel $0x180000  }
0x7f: {  	[bflag:$0x0] =	sbarrier.arrive $0xFFFF  }
0x80: {  	p0 =	sne.s32 s1, $0x0;
	_ =	strace $0x90000047  }
0x81: {  	s0 =	sadd.s32 @!p0 $0x100000, s0;
	[bflag:$0x2] =	sbarrier.arrive $0xFFFF  }
0x82: {  	[sflag:s0] =	ssyncadd.tile.s32 @!p0 $0x1;
	_ =	shalt  }
.Lfunc_end2:
_tile_overlayer_lowered:
.L_overlay_start_2:
0x83: {  	(tag) =	ssettag $0x2  }
0x84: {  	s0 =	rddreg [dreg:$0x0];
	s2 =	stileid.u32  }
0x85: {  	s1 =	rddreg [dreg:$0x1];
	p0 =	sne.s32 s2, $0x0  }
0x86: {  	s3 =	rddreg [dreg:$0x2];
	[bflag:$0x3] =	sbarrier.arrive $0xFFFF;
	s2 =	simm.s32 @!p0 $0x1C05  }
0x87: {  	[timem:s3], [sflag:s2] =	dma.local @!p0 [hbm:s0], s1  }
0x88: {  	s0 =	simm.s32 @!p0 $0x5  }
0x89: {  	_ =	swait.ge @!p0 [sflag:s0], s1  }
0x8a: {  	s1 =	ssub.s32 @!p0 $0x0, s1;
	[sflag:s0] =	ssyncset.done @!p0 $0x0  }
0x8b: {  	[sflag:s0] =	ssyncadd.s32 @!p0 s1  }
0x8c: {  	[bflag:$0x3] =	sbarrier.arrive $0xFFFF  }
0x8d: {  	_ =	shalt  }

// kernel: sparse-core-data-format-call.cloned.1.call-start
scs
called_computation_lowered:
.L_overlay_start_0:
0x0: {  	s2 =	sld [smem:$0x3FD9]  }
0x1: {  	s3 =	sld [smem:$0x3FFE];
	_ =	sdelay $0x1  }
0x2: {  	s1 =	srdreg.scid  }
0x3: {  	s0 =	sand.u32 $0x1, s1  }
0x4: {  	s18 =	sshll.u32 s0, $0xA;
	s2 =	sadd.s32 s3, s2  }
0x5: {  	s2 =	sadd.s32 s2, s18  }
0x6: {  	[smem:$0x3FC3] =	sst s2  }
0x7: {  	_ = 	snop  }
0x8: {  	s2 =	sld [smem:$0x3FD0];
	(tm) =	ssettm $0x1  }
0x9: {  	s19 =	sld [smem:$0x3FFB];
	_ =	sdelay $0x3  }
0xa: {  	_ =	strace s19  }
0xb: {  	s3 =	sld [smem:$0x3FFC];
	_ =	sdelay $0x3  }
0xc: {  	_ =	strace s3  }
0xd: {  	s3 =	sld [smem:$0x3FFD];
	_ =	sdelay $0x3  }
0xe: {  	_ =	strace s3  }
0xf: {  	_ =	strace $0x8FFFFFFF  }
0x10: {  	s20 =	sld [smem:$0x3FDB];
	_ =	sdelay $0x1  }
0x11: {  	s4 =	simm.s32 $_scs_section_size  }
0x12: {  	s5 =	simm.s32 $_size__tile_overlayer_lowered;
	s6 =	simm.s32 $_tile_overlayer_lowered  }
0x13: {  	s23 =	simm.s32 $0x1BFF;
	s22 =	sshll.u32 s6, $0x1;
	s3 =	sadd.s32 s4, s20  }
0x14: {  	s7 =	simm.s32 $0x0;
	s21 =	sshll.u32 s5, $0x1;
	s5 =	sadd.s32 s22, s3  }
0x15: {  	[timem:s7], [sflag:s23] =	dma.local [hbm:s5], s21  }
0x16: {  	_ =	swait.ge [sflag:s23], s21  }
0x17: {  	s4 =	ssub.s32 $0x0, s21;
	[sflag:s23] =	ssyncset.done $0x0  }
0x18: {  	[sflag:s23] =	ssyncadd.s32 s4;
	_ =	sdelay $0x1  }
0x19: {  	s24 =	simm.s32 $0x1B8B  }
0x1a: {  	_ =	swait.ge [sflag:s24], $0x1  }
0x1b: {  	[sflag:s24] =	ssyncset.done $0x0  }
0x1c: {  	s26 =	simm.s32 $0x1B8E;
	s25 =	sld [smem:$0x3FFE];
	[sflag:s24] =	ssyncadd.s32 $0xFFFFFFFF  }
0x1d: {  	s27 =	simm.s32 $execute0_lowered;
	[smem:$0x3FD2] =	sst s26  }
0x1e: {  	s5 =	sshll.u32 s27, $0x1;
	_ =	strace $0x80000049;
	[dreg:$0x1] =	wrdreg $0xFFFFFFFF  }
0x1f: {  	s28 =	simm.s32 $_size_execute0_lowered;
	s3 =	sadd.s32 s3, s5;
	[dreg:$0x0] =	wrdreg $0x0  }
0x20: {  	s5 =	sshll.u32 s28, $0x1;
	[dreg:$0x2] =	wrdreg s3  }
0x21: {  	[dreg:$0x3] =	wrdreg s5  }
0x22: {  	[dreg:$0x4] =	wrdreg $0xC0  }
0x23: {  	_ =	task [dreg:s7], $0x5FFFF  }
0x24: {  	[dreg:$0x1] =	wrdreg $0xFFFFFFFF  }
0x25: {  	[dreg:$0x0] =	wrdreg $0x60  }
0x26: {  	[dreg:$0x2] =	wrdreg s25  }
0x27: {  	[dreg:$0x3] =	wrdreg s2  }
0x28: {  	[dreg:$0x4] =	wrdreg $0x9  }
0x29: {  	_ =	task.clear_ibuf [dreg:s7], $0x5FFFF;
	_ =	strace $0x90000049  }
0x2a: {  	s29 =	simm.s32 $0x9;
	_ =	strace $0x8000004B  }
0x2b: {  	_ =	swait.ge [sflag:s29], $0x1  }
0x2c: {  	[sflag:s29] =	ssyncadd.s32 $0xFFFFFFFF  }
0x2d: {  	_ =	strace $0x9000004B  }
0x2e: {  	_ =	sfence  }
0x2f: {  	s30 =	sld [smem:$0x0];
	_ =	sdelay $0x2  }
0x30: {  	s31 =	sshll.u32 s1, $0xD;
	s1 =	sshrl.u32 s1, $0x2  }
0x31: {  	s3 =	sand.u32 $0x4000, s31;
	s1 =	sadd.s32 s1, s30  }
0x32: {  	s0 =	sor.u32 s3, s0;
	s1 =	sshll.u32 s1, $0x11  }
0x33: {  	s0 =	sor.u32 s1, s0  }
0x34: {  	s0 =	sadd.s32 $0x8F2B, s0  }
0x35: {  	[sflag:s0] =	ssyncadd.remote.s32 $0x1  }
0x36: {  	_ =	sfence.sel $0xFFFF  }
0x37: {  	[dreg:$0x0] =	wrdreg $0xFFFFFFFF;
	(pc) =	sbr.abs _section_cstart, $3  }
0x38: {  	[dreg:$0x1] =	wrdreg $0xFFFFFFFF  }
0x39: {  	_ =	task.clear_ibuf [dreg:s7], $0x2FFFF;
	_ =	strace $0x9FFFFFFF  }
0x3a: {  	(tm) =	ssettm $0x7FFFFFFF  }
0x3b: {  	_ =	shalt  }
tec
execute0_lowered:
.L_overlay_start_1:
0x0: {  	(tag) =	ssettag $0x1  }
0x1: {  	s0 =	srdreg.scid  }
0x2: {  	s1 =	sshll.u32 s0, $0x4  }
0x3: {  	s0 =	stileid.u32;
	s1 =	sand.u32 $0x10, s1  }
0x4: {  	s1 =	sor.u32 s0, s1  }
0x5: {  	s6 =	rddreg [dreg:$0x0];
	s4 =	simm.s32 $0x1;
	s2 =	sshll.u32 s1, $0x7  }
0x6: {  	s7 =	simm.s32 $0x2;
	s12 =	simm.s32 $0x0;
	s1 =	ssub.s32 $0x4000, s2  }
0x7: {  	s8 =	simm.s32 $0x20000;
	s13 =	simm.s32 $0x0;
	s3 =	sand.u32 $0xF80, s1  }
0x8: {  	s9 =	simm.s32 $0x0;
	s5 =	sshrl.u32 s1, $0xC;
	p0 =	sne.s32 s3, $0x0  }
.Ltmp0:
0x9: {  	s1 =	rddreg [dreg:$0x2];
	s4 =	simm.s32 @!p0 $0x0;
	(pc) =	sbr.rel .LBB1_1-.Ltmp0, $4  }
0xa: {  	s11 =	simm.s32 $0x0;
	s3 =	rddreg [dreg:$0x1];
	s5 =	sadd.s32 s4, s5  }
0xb: {  	_ =	strace $0x8000004A;
	s4 =	simm.s32 $0x1;
	s5 =	smul.u32 $0xC8, s5  }
0xc: {  	s6 =	sadd.s32 $0x1E00, s6;
	s10 =	smov.u32 s2;
	[sflag:s4] =	ssyncpa.u1 $0x0  }
0xd: {  	p0 =	por $0x0, $0x0;
	[sflag:s7] =	ssyncpa.u1 $0x0;
	s7 =	sor.u32 $0x1, s5  }
.LBB1_4:
0xe: {  	s16 =	sshll.u32 s13, $0x3;
	s17 =	sand.u32 $0x78, s13  }
0xf: {  	s30 =	sand.u32 $0x1F800, s13;
	s12 =	sshll.u32 s12, $0x11;
	s16 =	sand.u32 $0x3C00, s16  }
0x10: {  	[tilespmem:s15+$0x810 ss:$0x81] =	vst.msk $0xffff, v2;
	s31 =	sand.u32 $0x7, s13;
	s16 =	sor.u32 s17, s16;
	s17 =	sadd.s32 s3, s30  }
0x11: {  	[tilespmem:s15+$0x1020 ss:$0x81] =	vst.msk $0xffff, v0;
	s13 =	sshll.u32 s31, $0x12;
	s12 =	sadd.s32 s12, s17;
	s16 =	sshrl.u32 s16, $0x3  }
0x12: {  	[tilespmem:s15+$0x0 ss:$0x81] =	vst.msk $0xffff, v1;
	s13 =	sor.u32 $0x400, s13;
	s12 =	sadd.s32 s16, s12  }
0x13: {  	[hbm4b:s12+s13] =	stream.strided.scatter [tilespmem:s14], [sflag:$0x2], $0x2000, s8, s13, $0x20;
	[tilespmem:$0x8080] =	vst v63  }
.LBB1_5:
0x14: {  	s14 =	sadd.s32 $0x1, s9  }
0x15: {  	s12 =	sadd.s32 $0x1000, s10;
	s16 =	smov.u32 s10;
	p2 =	sgt.s32 s14, $0xC7  }
0x16: {  	s16 =	smov.u32 @p2 s12  }
0x17: {  	s14 =	simm.s32 @p2 $0x0;
	p2 =	sgt.s32 s16, $0x3FFF  }
0x18: {  	s16 =	smov.u32 @p2 s2;
	p2 =	sne.s32 s11, s7  }
.Ltmp1:
0x19: {  	p1 =	slt.u32 s11, $0x2;
	(pc) =	sbr.rel @!p2 .LBB1_6-.Ltmp1, $4  }
0x1a: {  	s15 =	simm.s32 @!p1 $0x2  }
0x1b: {  	s13 =	smov.u32 s10;
	p0 =	por !p0, !p0;
	_ =	swait.ge @!p1 [sflag:s15], $0x2000  }
0x1c: {  	s12 =	smov.u32 s9;
	[sflag:s15] =	ssyncset.done @!p1 $0x0;
	s9 =	smov.u32 s14  }
0x1d: {  	s11 =	sadd.s32 $0x1, s11;
	[sflag:s15] =	ssyncadd.s32 @!p1 $0xFFFFE000;
	s10 =	smov.u32 s16  }
.LBB1_1:
0x1e: {  	p1 =	sge.u32 s11, s5  }
0x1f: {  	s14 =	sand.u32 @!p1 $0x1FFFFFF, s9  }
0x20: {  	s15 =	smulhi.u32 @!p1 $0x147AE15, s14;
	_ =	sdelay $0x1  }
0x21: {  	s15 =	smul.u32 @!p1 $0xC8, s15  }
0x22: {  	s16 =	sxor.u32 @!p1 $0xFFFFFFFF, s11;
	s17 =	smul.u32 @!p1 $0xC80, s10  }
0x23: {  	s31 =	sadd.s32 $0xFFFFFFFF, s11;
	s16 =	sshll.u32 @!p1 s16, $0xD;
	s14 =	ssub.s32 @!p1 s14, s15  }
0x24: {  	s15 =	sand.u32 @!p1 $0x2000, s16;
	s16 =	sadd.s32 @!p1 s6, s17;
	s14 =	sshll.u32 @!p1 s14, $0x4  }
0x25: {  	s17 =	simm.s32 @!p1 $0x6400;
	s14 =	sadd.s32 @!p1 s14, s16;
	s16 =	simm.s32 @!p1 $0x40  }
0x26: {  	[tilespmem:s15], [sflag:$0x1] =	stream.strided.gather @!p1 [hbm4b:s14+s16], $0x2000, s17, s16, $0x38;
	[tilespmem:$0x8080] =	vst v63  }
0x27: {  	p1 =	sge.u32 s31, s5  }
.Ltmp2:
0x28: {  	_ = 	snop;
	(pc) =	sbr.rel @p1 .LBB1_5-.Ltmp2, $1  }
0x29: {  	_ =	sdelay $0x3  }
0x2a: {  	s14 =	simm.s32 $0x1  }
0x2b: {  	_ =	swait.ge [sflag:s4], $0x2000;
	s14 =	simm.s32 @!p0 $0x0  }
0x2c: {  	[sflag:s4] =	ssyncset.done $0x0;
	s15 =	sshll.u32 s14, $0xD  }
0x2d: {  	[sflag:s4] =	ssyncadd.s32 $0xFFFFE000;
	s18 =	sor.u32 $0x20, s15  }
0x2e: {  	s14 =	smul.u32 $0x8100, s14;
	v3 =	vld [tilespmem:s18+$0x10]  }
0x2f: {  	s30 =	sand.u32 $0x1, s11;
	v2 =	vld [tilespmem:s18+$0xFFFFFFF0]  }
0x30: {  	s15 =	smul.u32 $0x8100, s30;
	s14 =	sshrl.u32 s14, $0x2;
	v0 =	vld [tilespmem:s18+$0x0]  }
0x31: {  	v1 =	vld [tilespmem:s18+$0xFFFFFFE0];
	s16 =	sor.u32 $0x4000, s14  }
0x32: {  	s31 =	sshrl.u32 s15, $0x2;
	s15 =	sadd.s32 $0x0, s16  }
0x33: {  	s17 =	simm.s32 $0x4;
	s18 =	sadd.s32 $0x40, s18;
	s14 =	sor.u32 $0x4000, s31;
	[tilespmem:s15+$0x1830 ss:$0x81] =	vst.msk $0xffff, v3  }
.LBB1_3:
0x34: {  	v3 =	vld [tilespmem:s18+$0x10];
	p1 =	sne.s32 s17, $0x1FC;
	[tilespmem:s15+$0x810 ss:$0x81] =	vst.msk $0xffff, v2;
	s19 =	smov.u32 s17;
	s17 =	sadd.s32 $0x4, s17  }
.Ltmp3:
0x35: {  	v2 =	vld [tilespmem:s18+$0xFFFFFFF0];
	[tilespmem:s15+$0x1020 ss:$0x81] =	vst.msk $0xffff, v0;
	(pc) =	sbr.rel @p1 .LBB1_3-.Ltmp3, $4  }
0x36: {  	v0 =	vld [tilespmem:s18+$0x0];
	[tilespmem:s15+$0x0 ss:$0x81] =	vst.msk $0xffff, v1  }
0x37: {  	s15 =	sshra.s32 s19, $0x2;
	v1 =	vld [tilespmem:s18+$0xFFFFFFE0]  }
0x38: {  	s15 =	sadd.s32 s15, s16  }
0x39: {  	s18 =	sadd.s32 $0x40, s18;
	[tilespmem:s15+$0x1830 ss:$0x81] =	vst.msk $0xffff, v3  }
.Ltmp4:
0x3a: {  	_ = 	snop;
	(pc) =	sbr.rel .LBB1_4-.Ltmp4, $1  }
0x3b: {  	_ =	sdelay $0x3  }
.LBB1_6:
0x3c: {  	_ =	sfence.sel $0x180000  }
0x3d: {  	s2 =	simm.s32 $0x1;
	[bflag:$0x0] =	sbarrier.arrive $0xFFFF  }
0x3e: {  	s31 =	simm.s32 $0x2;
	[sflag:s2] =	ssyncpa.u1 $0x1  }
0x3f: {  	[sflag:s31] =	ssyncpa.u1 $0x1  }
0x40: {  	p0 =	sne.s32 s0, $0x0;
	_ =	strace $0x9000004A  }
0x41: {  	s0 =	sadd.s32 @!p0 $0x100000, s1;
	[bflag:$0x2] =	sbarrier.arrive $0xFFFF  }
0x42: {  	[sflag:s0] =	ssyncadd.tile.s32 @!p0 $0x1;
	_ =	shalt  }
.Lfunc_end1:
_tile_overlayer_lowered:
.L_overlay_start_2:
0x43: {  	(tag) =	ssettag $0x2  }
0x44: {  	s0 =	rddreg [dreg:$0x0];
	s2 =	stileid.u32  }
0x45: {  	s1 =	rddreg [dreg:$0x1];
	p0 =	sne.s32 s2, $0x0  }
0x46: {  	s3 =	rddreg [dreg:$0x2];
	[bflag:$0x3] =	sbarrier.arrive $0xFFFF;
	s2 =	simm.s32 @!p0 $0x1C01  }
0x47: {  	[timem:s3], [sflag:s2] =	dma.local @!p0 [hbm:s0], s1  }
0x48: {  	s0 =	simm.s32 @!p0 $0x1  }
0x49: {  	_ =	swait.ge @!p0 [sflag:s0], s1  }
0x4a: {  	s1 =	ssub.s32 @!p0 $0x0, s1;
	[sflag:s0] =	ssyncset.done @!p0 $0x0  }
0x4b: {  	[sflag:s0] =	ssyncadd.s32 @!p0 s1  }
0x4c: {  	[bflag:$0x3] =	sbarrier.arrive $0xFFFF  }
0x4d: {  	_ =	shalt  }

</sc_bundles>
